<compile_context>
chip_gen: v7x
topology: tpu7x:2x2x1
jax: 0.10.2.dev20260603
libtpu: 0.0.44.dev20260713+nightly
codegen_flags: <defaults>
</compile_context>

<pallas_src>
import functools

import jax
import jax.numpy as jnp
from jax import lax
from jax.experimental import pallas as pl
from jax.experimental.pallas import tpu as pltpu
from jax.experimental.pallas import tpu_sc as plsc

EMBED_DIM = 64
BATCH = 4096
MAX_LEN = 50
N_TOKENS = BATCH * MAX_LEN

_info = plsc.get_sparse_core_info()
NUM_CORES = _info.num_cores
NUM_SUBCORES = _info.num_subcores
NUM_WORKERS = NUM_CORES * NUM_SUBCORES

T_PER_W = N_TOKENS // NUM_WORKERS
CHUNK = 320
N_CHUNKS = T_PER_W // CHUNK
NBUF = 2


_mesh = plsc.VectorSubcoreMesh(core_axis_name="c", subcore_axis_name="s")


@functools.partial(
    pl.kernel,
    mesh=_mesh,
    out_type=jax.ShapeDtypeStruct((N_TOKENS, EMBED_DIM), jnp.float32),
    scratch_types=[
        pltpu.VMEM((T_PER_W,), jnp.int32),
    ] + [pltpu.VMEM((CHUNK, 128), jnp.float32)] * NBUF
      + [pltpu.SemaphoreType.DMA] * (2 * NBUF),
    compiler_params=pltpu.CompilerParams(use_tc_tiling_on_sc=False),
)
def _gather_kernel(idx_hbm, table_hbm, out_hbm, idx_v, b0, b1, g0, g1, s0, s1):
    bufs = (b0, b1)
    gsem = (g0, g1)
    ssem = (s0, s1)
    wid = lax.axis_index("s") * NUM_CORES + lax.axis_index("c")
    base = wid * T_PER_W
    pltpu.sync_copy(idx_hbm.at[pl.ds(base, T_PER_W)], idx_v)

    gcp = [None] * N_CHUNKS
    scp = [None] * N_CHUNKS

    def start_gather(ci):
        b = ci % NBUF
        gcp[ci] = pltpu.async_copy(
            table_hbm.at[idx_v.at[pl.ds(ci * CHUNK, CHUNK)]], bufs[b], gsem[b]
        )

    for ci in range(min(NBUF, N_CHUNKS)):
        start_gather(ci)
    for ci in range(N_CHUNKS):
        b = ci % NBUF
        gcp[ci].wait()
        scp[ci] = pltpu.async_copy(
            bufs[b].at[:, pl.ds(0, EMBED_DIM)],
            out_hbm.at[pl.ds(base + ci * CHUNK, CHUNK)], ssem[b]
        )
        nx = ci + NBUF
        if nx < N_CHUNKS:
            scp[ci].wait()
            start_gather(nx)
    for ci in range(max(0, N_CHUNKS - NBUF), N_CHUNKS):
        scp[ci].wait()


def kernel(inputs, embedding):
    idx = inputs.astype(jnp.int32).reshape(N_TOKENS)
    table = jnp.pad(embedding, ((0, 0), (0, 128 - EMBED_DIM)))
    out = _gather_kernel(idx, table)
    return out.reshape(BATCH, MAX_LEN, EMBED_DIM)

# --- scband reference (transcript-rebuilt; emitter-appended) ---
"""Pipeline reference for scband-word-embedding-17179869184737 (READ-ONLY COPY).

The authoritative reference and input builder live on the scoring server;
editing this copy changes nothing except your own understanding.
"""

import jax, jax.numpy as jnp
import numpy as np

VOCAB = 1000000
EMBED_DIM = 64
BATCH = 4096
MAX_LEN = 50


def setup_inputs(seed: int = 0) -> dict:
    key = jax.random.key(seed)
    k_idx, k_emb = jax.random.split(key)
    # Tokenized sentences: each word already mapped to a row id in [0, VOCAB].
    # Row VOCAB (the last row) is the mean-embedding row used for OOV / padding,
    # mirroring torch.cat((origin_embedding, embedding_mean), dim=0).
    inputs = jax.random.randint(k_idx, (BATCH, MAX_LEN), 0, VOCAB + 1, dtype=jnp.int64)
    origin_embedding = jax.random.normal(k_emb, (VOCAB, EMBED_DIM), dtype=jnp.float32)
    embedding_mean = jnp.mean(origin_embedding, axis=0, keepdims=True)
    embedding = jnp.concatenate((origin_embedding, embedding_mean), axis=0)  # [VOCAB+1, EMBED_DIM]
    return {"inputs": inputs, "embedding": embedding}


def reference(inputs, embedding):
    # Faithful vectorized translation of the per-word python loop:
    # every token id gathers its row from the (vocab+1)-row table; OOV words
    # were pre-mapped to the final mean row, padding positions likewise map
    # to a dedicated row id, producing [B, max_len, embedding_dim].
    embeddings = jnp.take(embedding, inputs, axis=0)
    return embeddings

if __name__ == "__main__":
    import jax
    _d = setup_inputs()
    print(jax.jit(kernel)(*tuple(_d.values())))

</pallas_src>

<mosaic_0001>
#map = affine_map<(d0, d1) -> (0)>
#map1 = affine_map<(d0, d1) -> (0, 0)>
module attributes {stable_mosaic.version = 14 : i64} {
  func.func @_gather_kernel(%arg0: i32, %arg1: i32, %arg2: memref<204800xi32, #tpu.memory_space<hbm>>, %arg3: memref<1000001x128xf32, #tpu.memory_space<hbm>>, %arg4: memref<204800x64xf32, #tpu.memory_space<hbm>>, %arg5: memref<6400xi32, #tpu.memory_space<vmem>>, %arg6: memref<320x128xf32, #tpu.memory_space<vmem>>, %arg7: memref<320x128xf32, #tpu.memory_space<vmem>>, %arg8: memref<!tpu.dma_semaphore, #tpu.memory_space<semaphore_mem>>, %arg9: memref<!tpu.dma_semaphore, #tpu.memory_space<semaphore_mem>>, %arg10: memref<!tpu.dma_semaphore, #tpu.memory_space<semaphore_mem>>, %arg11: memref<!tpu.dma_semaphore, #tpu.memory_space<semaphore_mem>>) attributes {dimension_semantics = [#tpu.dimension_semantics<core_parallel>, #tpu.dimension_semantics<subcore_parallel>], iteration_bounds = array<i64: 2, 16>, scalar_prefetch = 0 : i64, scratch_operands = 7 : i64, tpu.core_type = #tpu.core_type<sc_vector_subcore>, window_params = [{transform_indices = #map}, {transform_indices = #map1}, {transform_indices = #map1}]} {
    %mul3A = arith.constant 2 : i32
    %mul3A_0 = arith.muli %arg1, %mul3A : i32
    %add3A = arith.addi %mul3A_0, %arg0 : i32
    %mul3A_1 = arith.constant 6400 : i32
    %mul3A_2 = arith.muli %add3A, %mul3A_1 : i32
    "tpu.region"() ({
      %run_scoped3A = tpu.sem_alloc : memref<!tpu.dma_semaphore, #tpu.memory_space<semaphore_mem>>
      %dma_start3A_641 = tpu.memref_slice %arg2[%mul3A_2] : memref<204800xi32, #tpu.memory_space<hbm>> -> memref<6400xi32, #tpu.memory_space<hbm>>
      %dma_start3A_642 = tpu.memref_slice %arg2[%mul3A_2] : memref<204800xi32, #tpu.memory_space<hbm>> -> memref<6400xi32, #tpu.memory_space<hbm>>
      tpu.enqueue_dma source(%dma_start3A_642 : memref<6400xi32, #tpu.memory_space<hbm>>) target(%arg5 : memref<6400xi32, #tpu.memory_space<vmem>>) target_semaphore(%run_scoped3A : memref<!tpu.dma_semaphore, #tpu.memory_space<semaphore_mem>>)
      %dma_wait3A_643 = tpu.memref_slice %arg2[%mul3A_2] : memref<204800xi32, #tpu.memory_space<hbm>> -> memref<6400xi32, #tpu.memory_space<hbm>>
      %dma_wait3A_644 = tpu.memref_slice %arg2[%mul3A_2] : memref<204800xi32, #tpu.memory_space<hbm>> -> memref<6400xi32, #tpu.memory_space<hbm>>
      tpu.wait_dma2 semaphore(%run_scoped3A : memref<!tpu.dma_semaphore, #tpu.memory_space<semaphore_mem>>) src(%dma_wait3A_644 : memref<6400xi32, #tpu.memory_space<hbm>>) dst(%arg5 : memref<6400xi32, #tpu.memory_space<vmem>>)
      tpu.yield
    }) : () -> ()
    %dma_start3A = arith.constant 0 : i32
    %dma_start3A_3 = tpu.memref_slice %arg5[%dma_start3A] : memref<6400xi32, #tpu.memory_space<vmem>> -> memref<320xi32, #tpu.memory_space<vmem>>
    %dma_start3A_4 = arith.constant 0 : i32
    %dma_start3A_5 = arith.constant 0 : i32
    %dma_start3A_6 = tpu.memref_slice %arg3[%dma_start3A_4, %dma_start3A_5] : memref<1000001x128xf32, #tpu.memory_space<hbm>> -> memref<1000001x128xf32, #tpu.memory_space<hbm>>
    tpu.enqueue_indirect_dma source(%dma_start3A_6 : memref<1000001x128xf32, #tpu.memory_space<hbm>>) target(%arg6 : memref<320x128xf32, #tpu.memory_space<vmem>>) offsets(%dma_start3A_3 : memref<320xi32, #tpu.memory_space<vmem>>) semaphore(%arg8 : memref<!tpu.dma_semaphore, #tpu.memory_space<semaphore_mem>>)
    %dma_start3A_7 = arith.constant 320 : i32
    %dma_start3A_8 = tpu.memref_slice %arg5[%dma_start3A_7] : memref<6400xi32, #tpu.memory_space<vmem>> -> memref<320xi32, #tpu.memory_space<vmem>>
    %dma_start3A_9 = arith.constant 0 : i32
    %dma_start3A_10 = arith.constant 0 : i32
    %dma_start3A_11 = tpu.memref_slice %arg3[%dma_start3A_9, %dma_start3A_10] : memref<1000001x128xf32, #tpu.memory_space<hbm>> -> memref<1000001x128xf32, #tpu.memory_space<hbm>>
    tpu.enqueue_indirect_dma source(%dma_start3A_11 : memref<1000001x128xf32, #tpu.memory_space<hbm>>) target(%arg7 : memref<320x128xf32, #tpu.memory_space<vmem>>) offsets(%dma_start3A_8 : memref<320xi32, #tpu.memory_space<vmem>>) semaphore(%arg9 : memref<!tpu.dma_semaphore, #tpu.memory_space<semaphore_mem>>)
    %dma_wait3A = arith.constant 0 : i32
    %dma_wait3A_12 = tpu.memref_slice %arg5[%dma_wait3A] : memref<6400xi32, #tpu.memory_space<vmem>> -> memref<320xi32, #tpu.memory_space<vmem>>
    %dma_wait3A_13 = arith.constant 0 : i32
    %dma_wait3A_14 = arith.constant 0 : i32
    %dma_wait3A_15 = tpu.memref_slice %arg3[%dma_wait3A_13, %dma_wait3A_14] : memref<1000001x128xf32, #tpu.memory_space<hbm>> -> memref<1000001x128xf32, #tpu.memory_space<hbm>>
    tpu.wait_indirect_dma semaphore(%arg8 : memref<!tpu.dma_semaphore, #tpu.memory_space<semaphore_mem>>) src(%dma_wait3A_15 : memref<1000001x128xf32, #tpu.memory_space<hbm>>) dst(%arg6 : memref<320x128xf32, #tpu.memory_space<vmem>>)
    %add3A_16 = arith.constant 0 : i32
    %add3A_17 = arith.addi %mul3A_2, %add3A_16 : i32
    %dma_start3A_18 = arith.constant 0 : i32
    %dma_start3A_19 = arith.constant 0 : i32
    %dma_start3A_20 = tpu.memref_slice %arg6[%dma_start3A_18, %dma_start3A_19] : memref<320x128xf32, #tpu.memory_space<vmem>> -> memref<320x64xf32, #tpu.memory_space<vmem>>
    %dma_start3A_21 = arith.constant 0 : i32
    %dma_start3A_22 = tpu.memref_slice %arg4[%add3A_17, %dma_start3A_21] : memref<204800x64xf32, #tpu.memory_space<hbm>> -> memref<320x64xf32, #tpu.memory_space<hbm>>
    %dma_start3A_23 = arith.constant 0 : i32
    %dma_start3A_24 = tpu.memref_slice %arg4[%add3A_17, %dma_start3A_23] : memref<204800x64xf32, #tpu.memory_space<hbm>> -> memref<320x64xf32, #tpu.memory_space<hbm>>
    %dma_start3A_25 = arith.constant 0 : i32
    %dma_start3A_26 = arith.constant 0 : i32
    %dma_start3A_27 = tpu.memref_slice %arg6[%dma_start3A_25, %dma_start3A_26] : memref<320x128xf32, #tpu.memory_space<vmem>> -> memref<320x64xf32, #tpu.memory_space<vmem>>
    tpu.enqueue_dma source(%dma_start3A_27 : memref<320x64xf32, #tpu.memory_space<vmem>>) target(%dma_start3A_24 : memref<320x64xf32, #tpu.memory_space<hbm>>) target_semaphore(%arg10 : memref<!tpu.dma_semaphore, #tpu.memory_space<semaphore_mem>>)
    %dma_wait3A_28 = arith.constant 0 : i32
    %dma_wait3A_29 = arith.constant 0 : i32
    %dma_wait3A_30 = tpu.memref_slice %arg6[%dma_wait3A_28, %dma_wait3A_29] : memref<320x128xf32, #tpu.memory_space<vmem>> -> memref<320x64xf32, #tpu.memory_space<vmem>>
    %dma_wait3A_31 = arith.constant 0 : i32
    %dma_wait3A_32 = tpu.memref_slice %arg4[%add3A_17, %dma_wait3A_31] : memref<204800x64xf32, #tpu.memory_space<hbm>> -> memref<320x64xf32, #tpu.memory_space<hbm>>
    %dma_wait3A_33 = arith.constant 0 : i32
    %dma_wait3A_34 = tpu.memref_slice %arg4[%add3A_17, %dma_wait3A_33] : memref<204800x64xf32, #tpu.memory_space<hbm>> -> memref<320x64xf32, #tpu.memory_space<hbm>>
    %dma_wait3A_35 = arith.constant 0 : i32
    %dma_wait3A_36 = arith.constant 0 : i32
    %dma_wait3A_37 = tpu.memref_slice %arg6[%dma_wait3A_35, %dma_wait3A_36] : memref<320x128xf32, #tpu.memory_space<vmem>> -> memref<320x64xf32, #tpu.memory_space<vmem>>
    tpu.wait_dma2 semaphore(%arg10 : memref<!tpu.dma_semaphore, #tpu.memory_space<semaphore_mem>>) src(%dma_wait3A_37 : memref<320x64xf32, #tpu.memory_space<vmem>>) dst(%dma_wait3A_34 : memref<320x64xf32, #tpu.memory_space<hbm>>)
    %dma_start3A_38 = arith.constant 640 : i32
    %dma_start3A_39 = tpu.memref_slice %arg5[%dma_start3A_38] : memref<6400xi32, #tpu.memory_space<vmem>> -> memref<320xi32, #tpu.memory_space<vmem>>
    %dma_start3A_40 = arith.constant 0 : i32
    %dma_start3A_41 = arith.constant 0 : i32
    %dma_start3A_42 = tpu.memref_slice %arg3[%dma_start3A_40, %dma_start3A_41] : memref<1000001x128xf32, #tpu.memory_space<hbm>> -> memref<1000001x128xf32, #tpu.memory_space<hbm>>
    tpu.enqueue_indirect_dma source(%dma_start3A_42 : memref<1000001x128xf32, #tpu.memory_space<hbm>>) target(%arg6 : memref<320x128xf32, #tpu.memory_space<vmem>>) offsets(%dma_start3A_39 : memref<320xi32, #tpu.memory_space<vmem>>) semaphore(%arg8 : memref<!tpu.dma_semaphore, #tpu.memory_space<semaphore_mem>>)
    %dma_wait3A_43 = arith.constant 320 : i32
    %dma_wait3A_44 = tpu.memref_slice %arg5[%dma_wait3A_43] : memref<6400xi32, #tpu.memory_space<vmem>> -> memref<320xi32, #tpu.memory_space<vmem>>
    %dma_wait3A_45 = arith.constant 0 : i32
    %dma_wait3A_46 = arith.constant 0 : i32
    %dma_wait3A_47 = tpu.memref_slice %arg3[%dma_wait3A_45, %dma_wait3A_46] : memref<1000001x128xf32, #tpu.memory_space<hbm>> -> memref<1000001x128xf32, #tpu.memory_space<hbm>>
    tpu.wait_indirect_dma semaphore(%arg9 : memref<!tpu.dma_semaphore, #tpu.memory_space<semaphore_mem>>) src(%dma_wait3A_47 : memref<1000001x128xf32, #tpu.memory_space<hbm>>) dst(%arg7 : memref<320x128xf32, #tpu.memory_space<vmem>>)
    %add3A_48 = arith.constant 320 : i32
    %add3A_49 = arith.addi %mul3A_2, %add3A_48 : i32
    %dma_start3A_50 = arith.constant 0 : i32
    %dma_start3A_51 = arith.constant 0 : i32
    %dma_start3A_52 = tpu.memref_slice %arg7[%dma_start3A_50, %dma_start3A_51] : memref<320x128xf32, #tpu.memory_space<vmem>> -> memref<320x64xf32, #tpu.memory_space<vmem>>
    %dma_start3A_53 = arith.constant 0 : i32
    %dma_start3A_54 = tpu.memref_slice %arg4[%add3A_49, %dma_start3A_53] : memref<204800x64xf32, #tpu.memory_space<hbm>> -> memref<320x64xf32, #tpu.memory_space<hbm>>
    %dma_start3A_55 = arith.constant 0 : i32
    %dma_start3A_56 = tpu.memref_slice %arg4[%add3A_49, %dma_start3A_55] : memref<204800x64xf32, #tpu.memory_space<hbm>> -> memref<320x64xf32, #tpu.memory_space<hbm>>
    %dma_start3A_57 = arith.constant 0 : i32
    %dma_start3A_58 = arith.constant 0 : i32
    %dma_start3A_59 = tpu.memref_slice %arg7[%dma_start3A_57, %dma_start3A_58] : memref<320x128xf32, #tpu.memory_space<vmem>> -> memref<320x64xf32, #tpu.memory_space<vmem>>
    tpu.enqueue_dma source(%dma_start3A_59 : memref<320x64xf32, #tpu.memory_space<vmem>>) target(%dma_start3A_56 : memref<320x64xf32, #tpu.memory_space<hbm>>) target_semaphore(%arg11 : memref<!tpu.dma_semaphore, #tpu.memory_space<semaphore_mem>>)
    %dma_wait3A_60 = arith.constant 0 : i32
    %dma_wait3A_61 = arith.constant 0 : i32
    %dma_wait3A_62 = tpu.memref_slice %arg7[%dma_wait3A_60, %dma_wait3A_61] : memref<320x128xf32, #tpu.memory_space<vmem>> -> memref<320x64xf32, #tpu.memory_space<vmem>>
    %dma_wait3A_63 = arith.constant 0 : i32
    %dma_wait3A_64 = tpu.memref_slice %arg4[%add3A_49, %dma_wait3A_63] : memref<204800x64xf32, #tpu.memory_space<hbm>> -> memref<320x64xf32, #tpu.memory_space<hbm>>
    %dma_wait3A_65 = arith.constant 0 : i32
    %dma_wait3A_66 = tpu.memref_slice %arg4[%add3A_49, %dma_wait3A_65] : memref<204800x64xf32, #tpu.memory_space<hbm>> -> memref<320x64xf32, #tpu.memory_space<hbm>>
    %dma_wait3A_67 = arith.constant 0 : i32
    %dma_wait3A_68 = arith.constant 0 : i32
    %dma_wait3A_69 = tpu.memref_slice %arg7[%dma_wait3A_67, %dma_wait3A_68] : memref<320x128xf32, #tpu.memory_space<vmem>> -> memref<320x64xf32, #tpu.memory_space<vmem>>
    tpu.wait_dma2 semaphore(%arg11 : memref<!tpu.dma_semaphore, #tpu.memory_space<semaphore_mem>>) src(%dma_wait3A_69 : memref<320x64xf32, #tpu.memory_space<vmem>>) dst(%dma_wait3A_66 : memref<320x64xf32, #tpu.memory_space<hbm>>)
    %dma_start3A_70 = arith.constant 960 : i32
    %dma_start3A_71 = tpu.memref_slice %arg5[%dma_start3A_70] : memref<6400xi32, #tpu.memory_space<vmem>> -> memref<320xi32, #tpu.memory_space<vmem>>
    %dma_start3A_72 = arith.constant 0 : i32
    %dma_start3A_73 = arith.constant 0 : i32
    %dma_start3A_74 = tpu.memref_slice %arg3[%dma_start3A_72, %dma_start3A_73] : memref<1000001x128xf32, #tpu.memory_space<hbm>> -> memref<1000001x128xf32, #tpu.memory_space<hbm>>
    tpu.enqueue_indirect_dma source(%dma_start3A_74 : memref<1000001x128xf32, #tpu.memory_space<hbm>>) target(%arg7 : memref<320x128xf32, #tpu.memory_space<vmem>>) offsets(%dma_start3A_71 : memref<320xi32, #tpu.memory_space<vmem>>) semaphore(%arg9 : memref<!tpu.dma_semaphore, #tpu.memory_space<semaphore_mem>>)
    %dma_wait3A_75 = arith.constant 640 : i32
    %dma_wait3A_76 = tpu.memref_slice %arg5[%dma_wait3A_75] : memref<6400xi32, #tpu.memory_space<vmem>> -> memref<320xi32, #tpu.memory_space<vmem>>
    %dma_wait3A_77 = arith.constant 0 : i32
    %dma_wait3A_78 = arith.constant 0 : i32
    %dma_wait3A_79 = tpu.memref_slice %arg3[%dma_wait3A_77, %dma_wait3A_78] : memref<1000001x128xf32, #tpu.memory_space<hbm>> -> memref<1000001x128xf32, #tpu.memory_space<hbm>>
    tpu.wait_indirect_dma semaphore(%arg8 : memref<!tpu.dma_semaphore, #tpu.memory_space<semaphore_mem>>) src(%dma_wait3A_79 : memref<1000001x128xf32, #tpu.memory_space<hbm>>) dst(%arg6 : memref<320x128xf32, #tpu.memory_space<vmem>>)
    %add3A_80 = arith.constant 640 : i32
    %add3A_81 = arith.addi %mul3A_2, %add3A_80 : i32
    %dma_start3A_82 = arith.constant 0 : i32
    %dma_start3A_83 = arith.constant 0 : i32
    %dma_start3A_84 = tpu.memref_slice %arg6[%dma_start3A_82, %dma_start3A_83] : memref<320x128xf32, #tpu.memory_space<vmem>> -> memref<320x64xf32, #tpu.memory_space<vmem>>
    %dma_start3A_85 = arith.constant 0 : i32
    %dma_start3A_86 = tpu.memref_slice %arg4[%add3A_81, %dma_start3A_85] : memref<204800x64xf32, #tpu.memory_space<hbm>> -> memref<320x64xf32, #tpu.memory_space<hbm>>
    %dma_start3A_87 = arith.constant 0 : i32
    %dma_start3A_88 = tpu.memref_slice %arg4[%add3A_81, %dma_start3A_87] : memref<204800x64xf32, #tpu.memory_space<hbm>> -> memref<320x64xf32, #tpu.memory_space<hbm>>
    %dma_start3A_89 = arith.constant 0 : i32
    %dma_start3A_90 = arith.constant 0 : i32
    %dma_start3A_91 = tpu.memref_slice %arg6[%dma_start3A_89, %dma_start3A_90] : memref<320x128xf32, #tpu.memory_space<vmem>> -> memref<320x64xf32, #tpu.memory_space<vmem>>
    tpu.enqueue_dma source(%dma_start3A_91 : memref<320x64xf32, #tpu.memory_space<vmem>>) target(%dma_start3A_88 : memref<320x64xf32, #tpu.memory_space<hbm>>) target_semaphore(%arg10 : memref<!tpu.dma_semaphore, #tpu.memory_space<semaphore_mem>>)
    %dma_wait3A_92 = arith.constant 0 : i32
    %dma_wait3A_93 = arith.constant 0 : i32
    %dma_wait3A_94 = tpu.memref_slice %arg6[%dma_wait3A_92, %dma_wait3A_93] : memref<320x128xf32, #tpu.memory_space<vmem>> -> memref<320x64xf32, #tpu.memory_space<vmem>>
    %dma_wait3A_95 = arith.constant 0 : i32
    %dma_wait3A_96 = tpu.memref_slice %arg4[%add3A_81, %dma_wait3A_95] : memref<204800x64xf32, #tpu.memory_space<hbm>> -> memref<320x64xf32, #tpu.memory_space<hbm>>
    %dma_wait3A_97 = arith.constant 0 : i32
    %dma_wait3A_98 = tpu.memref_slice %arg4[%add3A_81, %dma_wait3A_97] : memref<204800x64xf32, #tpu.memory_space<hbm>> -> memref<320x64xf32, #tpu.memory_space<hbm>>
    %dma_wait3A_99 = arith.constant 0 : i32
    %dma_wait3A_100 = arith.constant 0 : i32
    %dma_wait3A_101 = tpu.memref_slice %arg6[%dma_wait3A_99, %dma_wait3A_100] : memref<320x128xf32, #tpu.memory_space<vmem>> -> memref<320x64xf32, #tpu.memory_space<vmem>>
    tpu.wait_dma2 semaphore(%arg10 : memref<!tpu.dma_semaphore, #tpu.memory_space<semaphore_mem>>) src(%dma_wait3A_101 : memref<320x64xf32, #tpu.memory_space<vmem>>) dst(%dma_wait3A_98 : memref<320x64xf32, #tpu.memory_space<hbm>>)
    %dma_start3A_102 = arith.constant 1280 : i32
    %dma_start3A_103 = tpu.memref_slice %arg5[%dma_start3A_102] : memref<6400xi32, #tpu.memory_space<vmem>> -> memref<320xi32, #tpu.memory_space<vmem>>
    %dma_start3A_104 = arith.constant 0 : i32
    %dma_start3A_105 = arith.constant 0 : i32
    %dma_start3A_106 = tpu.memref_slice %arg3[%dma_start3A_104, %dma_start3A_105] : memref<1000001x128xf32, #tpu.memory_space<hbm>> -> memref<1000001x128xf32, #tpu.memory_space<hbm>>
    tpu.enqueue_indirect_dma source(%dma_start3A_106 : memref<1000001x128xf32, #tpu.memory_space<hbm>>) target(%arg6 : memref<320x128xf32, #tpu.memory_space<vmem>>) offsets(%dma_start3A_103 : memref<320xi32, #tpu.memory_space<vmem>>) semaphore(%arg8 : memref<!tpu.dma_semaphore, #tpu.memory_space<semaphore_mem>>)
    %dma_wait3A_107 = arith.constant 960 : i32
    %dma_wait3A_108 = tpu.memref_slice %arg5[%dma_wait3A_107] : memref<6400xi32, #tpu.memory_space<vmem>> -> memref<320xi32, #tpu.memory_space<vmem>>
    %dma_wait3A_109 = arith.constant 0 : i32
    %dma_wait3A_110 = arith.constant 0 : i32
    %dma_wait3A_111 = tpu.memref_slice %arg3[%dma_wait3A_109, %dma_wait3A_110] : memref<1000001x128xf32, #tpu.memory_space<hbm>> -> memref<1000001x128xf32, #tpu.memory_space<hbm>>
    tpu.wait_indirect_dma semaphore(%arg9 : memref<!tpu.dma_semaphore, #tpu.memory_space<semaphore_mem>>) src(%dma_wait3A_111 : memref<1000001x128xf32, #tpu.memory_space<hbm>>) dst(%arg7 : memref<320x128xf32, #tpu.memory_space<vmem>>)
    %add3A_112 = arith.constant 960 : i32
    %add3A_113 = arith.addi %mul3A_2, %add3A_112 : i32
    %dma_start3A_114 = arith.constant 0 : i32
    %dma_start3A_115 = arith.constant 0 : i32
    %dma_start3A_116 = tpu.memref_slice %arg7[%dma_start3A_114, %dma_start3A_115] : memref<320x128xf32, #tpu.memory_space<vmem>> -> memref<320x64xf32, #tpu.memory_space<vmem>>
    %dma_start3A_117 = arith.constant 0 : i32
    %dma_start3A_118 = tpu.memref_slice %arg4[%add3A_113, %dma_start3A_117] : memref<204800x64xf32, #tpu.memory_space<hbm>> -> memref<320x64xf32, #tpu.memory_space<hbm>>
    %dma_start3A_119 = arith.constant 0 : i32
    %dma_start3A_120 = tpu.memref_slice %arg4[%add3A_113, %dma_start3A_119] : memref<204800x64xf32, #tpu.memory_space<hbm>> -> memref<320x64xf32, #tpu.memory_space<hbm>>
    %dma_start3A_121 = arith.constant 0 : i32
    %dma_start3A_122 = arith.constant 0 : i32
    %dma_start3A_123 = tpu.memref_slice %arg7[%dma_start3A_121, %dma_start3A_122] : memref<320x128xf32, #tpu.memory_space<vmem>> -> memref<320x64xf32, #tpu.memory_space<vmem>>
    tpu.enqueue_dma source(%dma_start3A_123 : memref<320x64xf32, #tpu.memory_space<vmem>>) target(%dma_start3A_120 : memref<320x64xf32, #tpu.memory_space<hbm>>) target_semaphore(%arg11 : memref<!tpu.dma_semaphore, #tpu.memory_space<semaphore_mem>>)
    %dma_wait3A_124 = arith.constant 0 : i32
    %dma_wait3A_125 = arith.constant 0 : i32
    %dma_wait3A_126 = tpu.memref_slice %arg7[%dma_wait3A_124, %dma_wait3A_125] : memref<320x128xf32, #tpu.memory_space<vmem>> -> memref<320x64xf32, #tpu.memory_space<vmem>>
    %dma_wait3A_127 = arith.constant 0 : i32
    %dma_wait3A_128 = tpu.memref_slice %arg4[%add3A_113, %dma_wait3A_127] : memref<204800x64xf32, #tpu.memory_space<hbm>> -> memref<320x64xf32, #tpu.memory_space<hbm>>
    %dma_wait3A_129 = arith.constant 0 : i32
    %dma_wait3A_130 = tpu.memref_slice %arg4[%add3A_113, %dma_wait3A_129] : memref<204800x64xf32, #tpu.memory_space<hbm>> -> memref<320x64xf32, #tpu.memory_space<hbm>>
    %dma_wait3A_131 = arith.constant 0 : i32
    %dma_wait3A_132 = arith.constant 0 : i32
    %dma_wait3A_133 = tpu.memref_slice %arg7[%dma_wait3A_131, %dma_wait3A_132] : memref<320x128xf32, #tpu.memory_space<vmem>> -> memref<320x64xf32, #tpu.memory_space<vmem>>
    tpu.wait_dma2 semaphore(%arg11 : memref<!tpu.dma_semaphore, #tpu.memory_space<semaphore_mem>>) src(%dma_wait3A_133 : memref<320x64xf32, #tpu.memory_space<vmem>>) dst(%dma_wait3A_130 : memref<320x64xf32, #tpu.memory_space<hbm>>)
    %dma_start3A_134 = arith.constant 1600 : i32
    %dma_start3A_135 = tpu.memref_slice %arg5[%dma_start3A_134] : memref<6400xi32, #tpu.memory_space<vmem>> -> memref<320xi32, #tpu.memory_space<vmem>>
    %dma_start3A_136 = arith.constant 0 : i32
    %dma_start3A_137 = arith.constant 0 : i32
    %dma_start3A_138 = tpu.memref_slice %arg3[%dma_start3A_136, %dma_start3A_137] : memref<1000001x128xf32, #tpu.memory_space<hbm>> -> memref<1000001x128xf32, #tpu.memory_space<hbm>>
    tpu.enqueue_indirect_dma source(%dma_start3A_138 : memref<1000001x128xf32, #tpu.memory_space<hbm>>) target(%arg7 : memref<320x128xf32, #tpu.memory_space<vmem>>) offsets(%dma_start3A_135 : memref<320xi32, #tpu.memory_space<vmem>>) semaphore(%arg9 : memref<!tpu.dma_semaphore, #tpu.memory_space<semaphore_mem>>)
    %dma_wait3A_139 = arith.constant 1280 : i32
    %dma_wait3A_140 = tpu.memref_slice %arg5[%dma_wait3A_139] : memref<6400xi32, #tpu.memory_space<vmem>> -> memref<320xi32, #tpu.memory_space<vmem>>
    %dma_wait3A_141 = arith.constant 0 : i32
    %dma_wait3A_142 = arith.constant 0 : i32
    %dma_wait3A_143 = tpu.memref_slice %arg3[%dma_wait3A_141, %dma_wait3A_142] : memref<1000001x128xf32, #tpu.memory_space<hbm>> -> memref<1000001x128xf32, #tpu.memory_space<hbm>>
    tpu.wait_indirect_dma semaphore(%arg8 : memref<!tpu.dma_semaphore, #tpu.memory_space<semaphore_mem>>) src(%dma_wait3A_143 : memref<1000001x128xf32, #tpu.memory_space<hbm>>) dst(%arg6 : memref<320x128xf32, #tpu.memory_space<vmem>>)
    %add3A_144 = arith.constant 1280 : i32
    %add3A_145 = arith.addi %mul3A_2, %add3A_144 : i32
    %dma_start3A_146 = arith.constant 0 : i32
    %dma_start3A_147 = arith.constant 0 : i32
    %dma_start3A_148 = tpu.memref_slice %arg6[%dma_start3A_146, %dma_start3A_147] : memref<320x128xf32, #tpu.memory_space<vmem>> -> memref<320x64xf32, #tpu.memory_space<vmem>>
    %dma_start3A_149 = arith.constant 0 : i32
    %dma_start3A_150 = tpu.memref_slice %arg4[%add3A_145, %dma_start3A_149] : memref<204800x64xf32, #tpu.memory_space<hbm>> -> memref<320x64xf32, #tpu.memory_space<hbm>>
    %dma_start3A_151 = arith.constant 0 : i32
    %dma_start3A_152 = tpu.memref_slice %arg4[%add3A_145, %dma_start3A_151] : memref<204800x64xf32, #tpu.memory_space<hbm>> -> memref<320x64xf32, #tpu.memory_space<hbm>>
    %dma_start3A_153 = arith.constant 0 : i32
    %dma_start3A_154 = arith.constant 0 : i32
    %dma_start3A_155 = tpu.memref_slice %arg6[%dma_start3A_153, %dma_start3A_154] : memref<320x128xf32, #tpu.memory_space<vmem>> -> memref<320x64xf32, #tpu.memory_space<vmem>>
    tpu.enqueue_dma source(%dma_start3A_155 : memref<320x64xf32, #tpu.memory_space<vmem>>) target(%dma_start3A_152 : memref<320x64xf32, #tpu.memory_space<hbm>>) target_semaphore(%arg10 : memref<!tpu.dma_semaphore, #tpu.memory_space<semaphore_mem>>)
    %dma_wait3A_156 = arith.constant 0 : i32
    %dma_wait3A_157 = arith.constant 0 : i32
    %dma_wait3A_158 = tpu.memref_slice %arg6[%dma_wait3A_156, %dma_wait3A_157] : memref<320x128xf32, #tpu.memory_space<vmem>> -> memref<320x64xf32, #tpu.memory_space<vmem>>
    %dma_wait3A_159 = arith.constant 0 : i32
    %dma_wait3A_160 = tpu.memref_slice %arg4[%add3A_145, %dma_wait3A_159] : memref<204800x64xf32, #tpu.memory_space<hbm>> -> memref<320x64xf32, #tpu.memory_space<hbm>>
    %dma_wait3A_161 = arith.constant 0 : i32
    %dma_wait3A_162 = tpu.memref_slice %arg4[%add3A_145, %dma_wait3A_161] : memref<204800x64xf32, #tpu.memory_space<hbm>> -> memref<320x64xf32, #tpu.memory_space<hbm>>
    %dma_wait3A_163 = arith.constant 0 : i32
    %dma_wait3A_164 = arith.constant 0 : i32
    %dma_wait3A_165 = tpu.memref_slice %arg6[%dma_wait3A_163, %dma_wait3A_164] : memref<320x128xf32, #tpu.memory_space<vmem>> -> memref<320x64xf32, #tpu.memory_space<vmem>>
    tpu.wait_dma2 semaphore(%arg10 : memref<!tpu.dma_semaphore, #tpu.memory_space<semaphore_mem>>) src(%dma_wait3A_165 : memref<320x64xf32, #tpu.memory_space<vmem>>) dst(%dma_wait3A_162 : memref<320x64xf32, #tpu.memory_space<hbm>>)
    %dma_start3A_166 = arith.constant 1920 : i32
    %dma_start3A_167 = tpu.memref_slice %arg5[%dma_start3A_166] : memref<6400xi32, #tpu.memory_space<vmem>> -> memref<320xi32, #tpu.memory_space<vmem>>
    %dma_start3A_168 = arith.constant 0 : i32
    %dma_start3A_169 = arith.constant 0 : i32
    %dma_start3A_170 = tpu.memref_slice %arg3[%dma_start3A_168, %dma_start3A_169] : memref<1000001x128xf32, #tpu.memory_space<hbm>> -> memref<1000001x128xf32, #tpu.memory_space<hbm>>
    tpu.enqueue_indirect_dma source(%dma_start3A_170 : memref<1000001x128xf32, #tpu.memory_space<hbm>>) target(%arg6 : memref<320x128xf32, #tpu.memory_space<vmem>>) offsets(%dma_start3A_167 : memref<320xi32, #tpu.memory_space<vmem>>) semaphore(%arg8 : memref<!tpu.dma_semaphore, #tpu.memory_space<semaphore_mem>>)
    %dma_wait3A_171 = arith.constant 1600 : i32
    %dma_wait3A_172 = tpu.memref_slice %arg5[%dma_wait3A_171] : memref<6400xi32, #tpu.memory_space<vmem>> -> memref<320xi32, #tpu.memory_space<vmem>>
    %dma_wait3A_173 = arith.constant 0 : i32
    %dma_wait3A_174 = arith.constant 0 : i32
    %dma_wait3A_175 = tpu.memref_slice %arg3[%dma_wait3A_173, %dma_wait3A_174] : memref<1000001x128xf32, #tpu.memory_space<hbm>> -> memref<1000001x128xf32, #tpu.memory_space<hbm>>
    tpu.wait_indirect_dma semaphore(%arg9 : memref<!tpu.dma_semaphore, #tpu.memory_space<semaphore_mem>>) src(%dma_wait3A_175 : memref<1000001x128xf32, #tpu.memory_space<hbm>>) dst(%arg7 : memref<320x128xf32, #tpu.memory_space<vmem>>)
    %add3A_176 = arith.constant 1600 : i32
    %add3A_177 = arith.addi %mul3A_2, %add3A_176 : i32
    %dma_start3A_178 = arith.constant 0 : i32
    %dma_start3A_179 = arith.constant 0 : i32
    %dma_start3A_180 = tpu.memref_slice %arg7[%dma_start3A_178, %dma_start3A_179] : memref<320x128xf32, #tpu.memory_space<vmem>> -> memref<320x64xf32, #tpu.memory_space<vmem>>
    %dma_start3A_181 = arith.constant 0 : i32
    %dma_start3A_182 = tpu.memref_slice %arg4[%add3A_177, %dma_start3A_181] : memref<204800x64xf32, #tpu.memory_space<hbm>> -> memref<320x64xf32, #tpu.memory_space<hbm>>
    %dma_start3A_183 = arith.constant 0 : i32
    %dma_start3A_184 = tpu.memref_slice %arg4[%add3A_177, %dma_start3A_183] : memref<204800x64xf32, #tpu.memory_space<hbm>> -> memref<320x64xf32, #tpu.memory_space<hbm>>
    %dma_start3A_185 = arith.constant 0 : i32
    %dma_start3A_186 = arith.constant 0 : i32
    %dma_start3A_187 = tpu.memref_slice %arg7[%dma_start3A_185, %dma_start3A_186] : memref<320x128xf32, #tpu.memory_space<vmem>> -> memref<320x64xf32, #tpu.memory_space<vmem>>
    tpu.enqueue_dma source(%dma_start3A_187 : memref<320x64xf32, #tpu.memory_space<vmem>>) target(%dma_start3A_184 : memref<320x64xf32, #tpu.memory_space<hbm>>) target_semaphore(%arg11 : memref<!tpu.dma_semaphore, #tpu.memory_space<semaphore_mem>>)
    %dma_wait3A_188 = arith.constant 0 : i32
    %dma_wait3A_189 = arith.constant 0 : i32
    %dma_wait3A_190 = tpu.memref_slice %arg7[%dma_wait3A_188, %dma_wait3A_189] : memref<320x128xf32, #tpu.memory_space<vmem>> -> memref<320x64xf32, #tpu.memory_space<vmem>>
    %dma_wait3A_191 = arith.constant 0 : i32
    %dma_wait3A_192 = tpu.memref_slice %arg4[%add3A_177, %dma_wait3A_191] : memref<204800x64xf32, #tpu.memory_space<hbm>> -> memref<320x64xf32, #tpu.memory_space<hbm>>
    %dma_wait3A_193 = arith.constant 0 : i32
    %dma_wait3A_194 = tpu.memref_slice %arg4[%add3A_177, %dma_wait3A_193] : memref<204800x64xf32, #tpu.memory_space<hbm>> -> memref<320x64xf32, #tpu.memory_space<hbm>>
    %dma_wait3A_195 = arith.constant 0 : i32
    %dma_wait3A_196 = arith.constant 0 : i32
    %dma_wait3A_197 = tpu.memref_slice %arg7[%dma_wait3A_195, %dma_wait3A_196] : memref<320x128xf32, #tpu.memory_space<vmem>> -> memref<320x64xf32, #tpu.memory_space<vmem>>
    tpu.wait_dma2 semaphore(%arg11 : memref<!tpu.dma_semaphore, #tpu.memory_space<semaphore_mem>>) src(%dma_wait3A_197 : memref<320x64xf32, #tpu.memory_space<vmem>>) dst(%dma_wait3A_194 : memref<320x64xf32, #tpu.memory_space<hbm>>)
    %dma_start3A_198 = arith.constant 2240 : i32
    %dma_start3A_199 = tpu.memref_slice %arg5[%dma_start3A_198] : memref<6400xi32, #tpu.memory_space<vmem>> -> memref<320xi32, #tpu.memory_space<vmem>>
    %dma_start3A_200 = arith.constant 0 : i32
    %dma_start3A_201 = arith.constant 0 : i32
    %dma_start3A_202 = tpu.memref_slice %arg3[%dma_start3A_200, %dma_start3A_201] : memref<1000001x128xf32, #tpu.memory_space<hbm>> -> memref<1000001x128xf32, #tpu.memory_space<hbm>>
    tpu.enqueue_indirect_dma source(%dma_start3A_202 : memref<1000001x128xf32, #tpu.memory_space<hbm>>) target(%arg7 : memref<320x128xf32, #tpu.memory_space<vmem>>) offsets(%dma_start3A_199 : memref<320xi32, #tpu.memory_space<vmem>>) semaphore(%arg9 : memref<!tpu.dma_semaphore, #tpu.memory_space<semaphore_mem>>)
    %dma_wait3A_203 = arith.constant 1920 : i32
    %dma_wait3A_204 = tpu.memref_slice %arg5[%dma_wait3A_203] : memref<6400xi32, #tpu.memory_space<vmem>> -> memref<320xi32, #tpu.memory_space<vmem>>
    %dma_wait3A_205 = arith.constant 0 : i32
    %dma_wait3A_206 = arith.constant 0 : i32
    %dma_wait3A_207 = tpu.memref_slice %arg3[%dma_wait3A_205, %dma_wait3A_206] : memref<1000001x128xf32, #tpu.memory_space<hbm>> -> memref<1000001x128xf32, #tpu.memory_space<hbm>>
    tpu.wait_indirect_dma semaphore(%arg8 : memref<!tpu.dma_semaphore, #tpu.memory_space<semaphore_mem>>) src(%dma_wait3A_207 : memref<1000001x128xf32, #tpu.memory_space<hbm>>) dst(%arg6 : memref<320x128xf32, #tpu.memory_space<vmem>>)
    %add3A_208 = arith.constant 1920 : i32
    %add3A_209 = arith.addi %mul3A_2, %add3A_208 : i32
    %dma_start3A_210 = arith.constant 0 : i32
    %dma_start3A_211 = arith.constant 0 : i32
    %dma_start3A_212 = tpu.memref_slice %arg6[%dma_start3A_210, %dma_start3A_211] : memref<320x128xf32, #tpu.memory_space<vmem>> -> memref<320x64xf32, #tpu.memory_space<vmem>>
    %dma_start3A_213 = arith.constant 0 : i32
    %dma_start3A_214 = tpu.memref_slice %arg4[%add3A_209, %dma_start3A_213] : memref<204800x64xf32, #tpu.memory_space<hbm>> -> memref<320x64xf32, #tpu.memory_space<hbm>>
    %dma_start3A_215 = arith.constant 0 : i32
    %dma_start3A_216 = tpu.memref_slice %arg4[%add3A_209, %dma_start3A_215] : memref<204800x64xf32, #tpu.memory_space<hbm>> -> memref<320x64xf32, #tpu.memory_space<hbm>>
    %dma_start3A_217 = arith.constant 0 : i32
    %dma_start3A_218 = arith.constant 0 : i32
    %dma_start3A_219 = tpu.memref_slice %arg6[%dma_start3A_217, %dma_start3A_218] : memref<320x128xf32, #tpu.memory_space<vmem>> -> memref<320x64xf32, #tpu.memory_space<vmem>>
    tpu.enqueue_dma source(%dma_start3A_219 : memref<320x64xf32, #tpu.memory_space<vmem>>) target(%dma_start3A_216 : memref<320x64xf32, #tpu.memory_space<hbm>>) target_semaphore(%arg10 : memref<!tpu.dma_semaphore, #tpu.memory_space<semaphore_mem>>)
    %dma_wait3A_220 = arith.constant 0 : i32
    %dma_wait3A_221 = arith.constant 0 : i32
    %dma_wait3A_222 = tpu.memref_slice %arg6[%dma_wait3A_220, %dma_wait3A_221] : memref<320x128xf32, #tpu.memory_space<vmem>> -> memref<320x64xf32, #tpu.memory_space<vmem>>
    %dma_wait3A_223 = arith.constant 0 : i32
    %dma_wait3A_224 = tpu.memref_slice %arg4[%add3A_209, %dma_wait3A_223] : memref<204800x64xf32, #tpu.memory_space<hbm>> -> memref<320x64xf32, #tpu.memory_space<hbm>>
    %dma_wait3A_225 = arith.constant 0 : i32
    %dma_wait3A_226 = tpu.memref_slice %arg4[%add3A_209, %dma_wait3A_225] : memref<204800x64xf32, #tpu.memory_space<hbm>> -> memref<320x64xf32, #tpu.memory_space<hbm>>
    %dma_wait3A_227 = arith.constant 0 : i32
    %dma_wait3A_228 = arith.constant 0 : i32
    %dma_wait3A_229 = tpu.memref_slice %arg6[%dma_wait3A_227, %dma_wait3A_228] : memref<320x128xf32, #tpu.memory_space<vmem>> -> memref<320x64xf32, #tpu.memory_space<vmem>>
    tpu.wait_dma2 semaphore(%arg10 : memref<!tpu.dma_semaphore, #tpu.memory_space<semaphore_mem>>) src(%dma_wait3A_229 : memref<320x64xf32, #tpu.memory_space<vmem>>) dst(%dma_wait3A_226 : memref<320x64xf32, #tpu.memory_space<hbm>>)
    %dma_start3A_230 = arith.constant 2560 : i32
    %dma_start3A_231 = tpu.memref_slice %arg5[%dma_start3A_230] : memref<6400xi32, #tpu.memory_space<vmem>> -> memref<320xi32, #tpu.memory_space<vmem>>
    %dma_start3A_232 = arith.constant 0 : i32
    %dma_start3A_233 = arith.constant 0 : i32
    %dma_start3A_234 = tpu.memref_slice %arg3[%dma_start3A_232, %dma_start3A_233] : memref<1000001x128xf32, #tpu.memory_space<hbm>> -> memref<1000001x128xf32, #tpu.memory_space<hbm>>
    tpu.enqueue_indirect_dma source(%dma_start3A_234 : memref<1000001x128xf32, #tpu.memory_space<hbm>>) target(%arg6 : memref<320x128xf32, #tpu.memory_space<vmem>>) offsets(%dma_start3A_231 : memref<320xi32, #tpu.memory_space<vmem>>) semaphore(%arg8 : memref<!tpu.dma_semaphore, #tpu.memory_space<semaphore_mem>>)
    %dma_wait3A_235 = arith.constant 2240 : i32
    %dma_wait3A_236 = tpu.memref_slice %arg5[%dma_wait3A_235] : memref<6400xi32, #tpu.memory_space<vmem>> -> memref<320xi32, #tpu.memory_space<vmem>>
    %dma_wait3A_237 = arith.constant 0 : i32
    %dma_wait3A_238 = arith.constant 0 : i32
    %dma_wait3A_239 = tpu.memref_slice %arg3[%dma_wait3A_237, %dma_wait3A_238] : memref<1000001x128xf32, #tpu.memory_space<hbm>> -> memref<1000001x128xf32, #tpu.memory_space<hbm>>
    tpu.wait_indirect_dma semaphore(%arg9 : memref<!tpu.dma_semaphore, #tpu.memory_space<semaphore_mem>>) src(%dma_wait3A_239 : memref<1000001x128xf32, #tpu.memory_space<hbm>>) dst(%arg7 : memref<320x128xf32, #tpu.memory_space<vmem>>)
    %add3A_240 = arith.constant 2240 : i32
    %add3A_241 = arith.addi %mul3A_2, %add3A_240 : i32
    %dma_start3A_242 = arith.constant 0 : i32
    %dma_start3A_243 = arith.constant 0 : i32
    %dma_start3A_244 = tpu.memref_slice %arg7[%dma_start3A_242, %dma_start3A_243] : memref<320x128xf32, #tpu.memory_space<vmem>> -> memref<320x64xf32, #tpu.memory_space<vmem>>
    %dma_start3A_245 = arith.constant 0 : i32
    %dma_start3A_246 = tpu.memref_slice %arg4[%add3A_241, %dma_start3A_245] : memref<204800x64xf32, #tpu.memory_space<hbm>> -> memref<320x64xf32, #tpu.memory_space<hbm>>
    %dma_start3A_247 = arith.constant 0 : i32
    %dma_start3A_248 = tpu.memref_slice %arg4[%add3A_241, %dma_start3A_247] : memref<204800x64xf32, #tpu.memory_space<hbm>> -> memref<320x64xf32, #tpu.memory_space<hbm>>
    %dma_start3A_249 = arith.constant 0 : i32
    %dma_start3A_250 = arith.constant 0 : i32
    %dma_start3A_251 = tpu.memref_slice %arg7[%dma_start3A_249, %dma_start3A_250] : memref<320x128xf32, #tpu.memory_space<vmem>> -> memref<320x64xf32, #tpu.memory_space<vmem>>
    tpu.enqueue_dma source(%dma_start3A_251 : memref<320x64xf32, #tpu.memory_space<vmem>>) target(%dma_start3A_248 : memref<320x64xf32, #tpu.memory_space<hbm>>) target_semaphore(%arg11 : memref<!tpu.dma_semaphore, #tpu.memory_space<semaphore_mem>>)
    %dma_wait3A_252 = arith.constant 0 : i32
    %dma_wait3A_253 = arith.constant 0 : i32
    %dma_wait3A_254 = tpu.memref_slice %arg7[%dma_wait3A_252, %dma_wait3A_253] : memref<320x128xf32, #tpu.memory_space<vmem>> -> memref<320x64xf32, #tpu.memory_space<vmem>>
    %dma_wait3A_255 = arith.constant 0 : i32
    %dma_wait3A_256 = tpu.memref_slice %arg4[%add3A_241, %dma_wait3A_255] : memref<204800x64xf32, #tpu.memory_space<hbm>> -> memref<320x64xf32, #tpu.memory_space<hbm>>
    %dma_wait3A_257 = arith.constant 0 : i32
    %dma_wait3A_258 = tpu.memref_slice %arg4[%add3A_241, %dma_wait3A_257] : memref<204800x64xf32, #tpu.memory_space<hbm>> -> memref<320x64xf32, #tpu.memory_space<hbm>>
    %dma_wait3A_259 = arith.constant 0 : i32
    %dma_wait3A_260 = arith.constant 0 : i32
    %dma_wait3A_261 = tpu.memref_slice %arg7[%dma_wait3A_259, %dma_wait3A_260] : memref<320x128xf32, #tpu.memory_space<vmem>> -> memref<320x64xf32, #tpu.memory_space<vmem>>
    tpu.wait_dma2 semaphore(%arg11 : memref<!tpu.dma_semaphore, #tpu.memory_space<semaphore_mem>>) src(%dma_wait3A_261 : memref<320x64xf32, #tpu.memory_space<vmem>>) dst(%dma_wait3A_258 : memref<320x64xf32, #tpu.memory_space<hbm>>)
    %dma_start3A_262 = arith.constant 2880 : i32
    %dma_start3A_263 = tpu.memref_slice %arg5[%dma_start3A_262] : memref<6400xi32, #tpu.memory_space<vmem>> -> memref<320xi32, #tpu.memory_space<vmem>>
    %dma_start3A_264 = arith.constant 0 : i32
    %dma_start3A_265 = arith.constant 0 : i32
    %dma_start3A_266 = tpu.memref_slice %arg3[%dma_start3A_264, %dma_start3A_265] : memref<1000001x128xf32, #tpu.memory_space<hbm>> -> memref<1000001x128xf32, #tpu.memory_space<hbm>>
    tpu.enqueue_indirect_dma source(%dma_start3A_266 : memref<1000001x128xf32, #tpu.memory_space<hbm>>) target(%arg7 : memref<320x128xf32, #tpu.memory_space<vmem>>) offsets(%dma_start3A_263 : memref<320xi32, #tpu.memory_space<vmem>>) semaphore(%arg9 : memref<!tpu.dma_semaphore, #tpu.memory_space<semaphore_mem>>)
    %dma_wait3A_267 = arith.constant 2560 : i32
    %dma_wait3A_268 = tpu.memref_slice %arg5[%dma_wait3A_267] : memref<6400xi32, #tpu.memory_space<vmem>> -> memref<320xi32, #tpu.memory_space<vmem>>
    %dma_wait3A_269 = arith.constant 0 : i32
    %dma_wait3A_270 = arith.constant 0 : i32
    %dma_wait3A_271 = tpu.memref_slice %arg3[%dma_wait3A_269, %dma_wait3A_270] : memref<1000001x128xf32, #tpu.memory_space<hbm>> -> memref<1000001x128xf32, #tpu.memory_space<hbm>>
    tpu.wait_indirect_dma semaphore(%arg8 : memref<!tpu.dma_semaphore, #tpu.memory_space<semaphore_mem>>) src(%dma_wait3A_271 : memref<1000001x128xf32, #tpu.memory_space<hbm>>) dst(%arg6 : memref<320x128xf32, #tpu.memory_space<vmem>>)
    %add3A_272 = arith.constant 2560 : i32
    %add3A_273 = arith.addi %mul3A_2, %add3A_272 : i32
    %dma_start3A_274 = arith.constant 0 : i32
    %dma_start3A_275 = arith.constant 0 : i32
    %dma_start3A_276 = tpu.memref_slice %arg6[%dma_start3A_274, %dma_start3A_275] : memref<320x128xf32, #tpu.memory_space<vmem>> -> memref<320x64xf32, #tpu.memory_space<vmem>>
    %dma_start3A_277 = arith.constant 0 : i32
    %dma_start3A_278 = tpu.memref_slice %arg4[%add3A_273, %dma_start3A_277] : memref<204800x64xf32, #tpu.memory_space<hbm>> -> memref<320x64xf32, #tpu.memory_space<hbm>>
    %dma_start3A_279 = arith.constant 0 : i32
    %dma_start3A_280 = tpu.memref_slice %arg4[%add3A_273, %dma_start3A_279] : memref<204800x64xf32, #tpu.memory_space<hbm>> -> memref<320x64xf32, #tpu.memory_space<hbm>>
    %dma_start3A_281 = arith.constant 0 : i32
    %dma_start3A_282 = arith.constant 0 : i32
    %dma_start3A_283 = tpu.memref_slice %arg6[%dma_start3A_281, %dma_start3A_282] : memref<320x128xf32, #tpu.memory_space<vmem>> -> memref<320x64xf32, #tpu.memory_space<vmem>>
    tpu.enqueue_dma source(%dma_start3A_283 : memref<320x64xf32, #tpu.memory_space<vmem>>) target(%dma_start3A_280 : memref<320x64xf32, #tpu.memory_space<hbm>>) target_semaphore(%arg10 : memref<!tpu.dma_semaphore, #tpu.memory_space<semaphore_mem>>)
    %dma_wait3A_284 = arith.constant 0 : i32
    %dma_wait3A_285 = arith.constant 0 : i32
    %dma_wait3A_286 = tpu.memref_slice %arg6[%dma_wait3A_284, %dma_wait3A_285] : memref<320x128xf32, #tpu.memory_space<vmem>> -> memref<320x64xf32, #tpu.memory_space<vmem>>
    %dma_wait3A_287 = arith.constant 0 : i32
    %dma_wait3A_288 = tpu.memref_slice %arg4[%add3A_273, %dma_wait3A_287] : memref<204800x64xf32, #tpu.memory_space<hbm>> -> memref<320x64xf32, #tpu.memory_space<hbm>>
    %dma_wait3A_289 = arith.constant 0 : i32
    %dma_wait3A_290 = tpu.memref_slice %arg4[%add3A_273, %dma_wait3A_289] : memref<204800x64xf32, #tpu.memory_space<hbm>> -> memref<320x64xf32, #tpu.memory_space<hbm>>
    %dma_wait3A_291 = arith.constant 0 : i32
    %dma_wait3A_292 = arith.constant 0 : i32
    %dma_wait3A_293 = tpu.memref_slice %arg6[%dma_wait3A_291, %dma_wait3A_292] : memref<320x128xf32, #tpu.memory_space<vmem>> -> memref<320x64xf32, #tpu.memory_space<vmem>>
    tpu.wait_dma2 semaphore(%arg10 : memref<!tpu.dma_semaphore, #tpu.memory_space<semaphore_mem>>) src(%dma_wait3A_293 : memref<320x64xf32, #tpu.memory_space<vmem>>) dst(%dma_wait3A_290 : memref<320x64xf32, #tpu.memory_space<hbm>>)
    %dma_start3A_294 = arith.constant 3200 : i32
    %dma_start3A_295 = tpu.memref_slice %arg5[%dma_start3A_294] : memref<6400xi32, #tpu.memory_space<vmem>> -> memref<320xi32, #tpu.memory_space<vmem>>
    %dma_start3A_296 = arith.constant 0 : i32
    %dma_start3A_297 = arith.constant 0 : i32
    %dma_start3A_298 = tpu.memref_slice %arg3[%dma_start3A_296, %dma_start3A_297] : memref<1000001x128xf32, #tpu.memory_space<hbm>> -> memref<1000001x128xf32, #tpu.memory_space<hbm>>
    tpu.enqueue_indirect_dma source(%dma_start3A_298 : memref<1000001x128xf32, #tpu.memory_space<hbm>>) target(%arg6 : memref<320x128xf32, #tpu.memory_space<vmem>>) offsets(%dma_start3A_295 : memref<320xi32, #tpu.memory_space<vmem>>) semaphore(%arg8 : memref<!tpu.dma_semaphore, #tpu.memory_space<semaphore_mem>>)
    %dma_wait3A_299 = arith.constant 2880 : i32
    %dma_wait3A_300 = tpu.memref_slice %arg5[%dma_wait3A_299] : memref<6400xi32, #tpu.memory_space<vmem>> -> memref<320xi32, #tpu.memory_space<vmem>>
    %dma_wait3A_301 = arith.constant 0 : i32
    %dma_wait3A_302 = arith.constant 0 : i32
    %dma_wait3A_303 = tpu.memref_slice %arg3[%dma_wait3A_301, %dma_wait3A_302] : memref<1000001x128xf32, #tpu.memory_space<hbm>> -> memref<1000001x128xf32, #tpu.memory_space<hbm>>
    tpu.wait_indirect_dma semaphore(%arg9 : memref<!tpu.dma_semaphore, #tpu.memory_space<semaphore_mem>>) src(%dma_wait3A_303 : memref<1000001x128xf32, #tpu.memory_space<hbm>>) dst(%arg7 : memref<320x128xf32, #tpu.memory_space<vmem>>)
    %add3A_304 = arith.constant 2880 : i32
    %add3A_305 = arith.addi %mul3A_2, %add3A_304 : i32
    %dma_start3A_306 = arith.constant 0 : i32
    %dma_start3A_307 = arith.constant 0 : i32
    %dma_start3A_308 = tpu.memref_slice %arg7[%dma_start3A_306, %dma_start3A_307] : memref<320x128xf32, #tpu.memory_space<vmem>> -> memref<320x64xf32, #tpu.memory_space<vmem>>
    %dma_start3A_309 = arith.constant 0 : i32
    %dma_start3A_310 = tpu.memref_slice %arg4[%add3A_305, %dma_start3A_309] : memref<204800x64xf32, #tpu.memory_space<hbm>> -> memref<320x64xf32, #tpu.memory_space<hbm>>
    %dma_start3A_311 = arith.constant 0 : i32
    %dma_start3A_312 = tpu.memref_slice %arg4[%add3A_305, %dma_start3A_311] : memref<204800x64xf32, #tpu.memory_space<hbm>> -> memref<320x64xf32, #tpu.memory_space<hbm>>
    %dma_start3A_313 = arith.constant 0 : i32
    %dma_start3A_314 = arith.constant 0 : i32
    %dma_start3A_315 = tpu.memref_slice %arg7[%dma_start3A_313, %dma_start3A_314] : memref<320x128xf32, #tpu.memory_space<vmem>> -> memref<320x64xf32, #tpu.memory_space<vmem>>
    tpu.enqueue_dma source(%dma_start3A_315 : memref<320x64xf32, #tpu.memory_space<vmem>>) target(%dma_start3A_312 : memref<320x64xf32, #tpu.memory_space<hbm>>) target_semaphore(%arg11 : memref<!tpu.dma_semaphore, #tpu.memory_space<semaphore_mem>>)
    %dma_wait3A_316 = arith.constant 0 : i32
    %dma_wait3A_317 = arith.constant 0 : i32
    %dma_wait3A_318 = tpu.memref_slice %arg7[%dma_wait3A_316, %dma_wait3A_317] : memref<320x128xf32, #tpu.memory_space<vmem>> -> memref<320x64xf32, #tpu.memory_space<vmem>>
    %dma_wait3A_319 = arith.constant 0 : i32
    %dma_wait3A_320 = tpu.memref_slice %arg4[%add3A_305, %dma_wait3A_319] : memref<204800x64xf32, #tpu.memory_space<hbm>> -> memref<320x64xf32, #tpu.memory_space<hbm>>
    %dma_wait3A_321 = arith.constant 0 : i32
    %dma_wait3A_322 = tpu.memref_slice %arg4[%add3A_305, %dma_wait3A_321] : memref<204800x64xf32, #tpu.memory_space<hbm>> -> memref<320x64xf32, #tpu.memory_space<hbm>>
    %dma_wait3A_323 = arith.constant 0 : i32
    %dma_wait3A_324 = arith.constant 0 : i32
    %dma_wait3A_325 = tpu.memref_slice %arg7[%dma_wait3A_323, %dma_wait3A_324] : memref<320x128xf32, #tpu.memory_space<vmem>> -> memref<320x64xf32, #tpu.memory_space<vmem>>
    tpu.wait_dma2 semaphore(%arg11 : memref<!tpu.dma_semaphore, #tpu.memory_space<semaphore_mem>>) src(%dma_wait3A_325 : memref<320x64xf32, #tpu.memory_space<vmem>>) dst(%dma_wait3A_322 : memref<320x64xf32, #tpu.memory_space<hbm>>)
    %dma_start3A_326 = arith.constant 3520 : i32
    %dma_start3A_327 = tpu.memref_slice %arg5[%dma_start3A_326] : memref<6400xi32, #tpu.memory_space<vmem>> -> memref<320xi32, #tpu.memory_space<vmem>>
    %dma_start3A_328 = arith.constant 0 : i32
    %dma_start3A_329 = arith.constant 0 : i32
    %dma_start3A_330 = tpu.memref_slice %arg3[%dma_start3A_328, %dma_start3A_329] : memref<1000001x128xf32, #tpu.memory_space<hbm>> -> memref<1000001x128xf32, #tpu.memory_space<hbm>>
    tpu.enqueue_indirect_dma source(%dma_start3A_330 : memref<1000001x128xf32, #tpu.memory_space<hbm>>) target(%arg7 : memref<320x128xf32, #tpu.memory_space<vmem>>) offsets(%dma_start3A_327 : memref<320xi32, #tpu.memory_space<vmem>>) semaphore(%arg9 : memref<!tpu.dma_semaphore, #tpu.memory_space<semaphore_mem>>)
    %dma_wait3A_331 = arith.constant 3200 : i32
    %dma_wait3A_332 = tpu.memref_slice %arg5[%dma_wait3A_331] : memref<6400xi32, #tpu.memory_space<vmem>> -> memref<320xi32, #tpu.memory_space<vmem>>
    %dma_wait3A_333 = arith.constant 0 : i32
    %dma_wait3A_334 = arith.constant 0 : i32
    %dma_wait3A_335 = tpu.memref_slice %arg3[%dma_wait3A_333, %dma_wait3A_334] : memref<1000001x128xf32, #tpu.memory_space<hbm>> -> memref<1000001x128xf32, #tpu.memory_space<hbm>>
    tpu.wait_indirect_dma semaphore(%arg8 : memref<!tpu.dma_semaphore, #tpu.memory_space<semaphore_mem>>) src(%dma_wait3A_335 : memref<1000001x128xf32, #tpu.memory_space<hbm>>) dst(%arg6 : memref<320x128xf32, #tpu.memory_space<vmem>>)
    %add3A_336 = arith.constant 3200 : i32
    %add3A_337 = arith.addi %mul3A_2, %add3A_336 : i32
    %dma_start3A_338 = arith.constant 0 : i32
    %dma_start3A_339 = arith.constant 0 : i32
    %dma_start3A_340 = tpu.memref_slice %arg6[%dma_start3A_338, %dma_start3A_339] : memref<320x128xf32, #tpu.memory_space<vmem>> -> memref<320x64xf32, #tpu.memory_space<vmem>>
    %dma_start3A_341 = arith.constant 0 : i32
    %dma_start3A_342 = tpu.memref_slice %arg4[%add3A_337, %dma_start3A_341] : memref<204800x64xf32, #tpu.memory_space<hbm>> -> memref<320x64xf32, #tpu.memory_space<hbm>>
    %dma_start3A_343 = arith.constant 0 : i32
    %dma_start3A_344 = tpu.memref_slice %arg4[%add3A_337, %dma_start3A_343] : memref<204800x64xf32, #tpu.memory_space<hbm>> -> memref<320x64xf32, #tpu.memory_space<hbm>>
    %dma_start3A_345 = arith.constant 0 : i32
    %dma_start3A_346 = arith.constant 0 : i32
    %dma_start3A_347 = tpu.memref_slice %arg6[%dma_start3A_345, %dma_start3A_346] : memref<320x128xf32, #tpu.memory_space<vmem>> -> memref<320x64xf32, #tpu.memory_space<vmem>>
    tpu.enqueue_dma source(%dma_start3A_347 : memref<320x64xf32, #tpu.memory_space<vmem>>) target(%dma_start3A_344 : memref<320x64xf32, #tpu.memory_space<hbm>>) target_semaphore(%arg10 : memref<!tpu.dma_semaphore, #tpu.memory_space<semaphore_mem>>)
    %dma_wait3A_348 = arith.constant 0 : i32
    %dma_wait3A_349 = arith.constant 0 : i32
    %dma_wait3A_350 = tpu.memref_slice %arg6[%dma_wait3A_348, %dma_wait3A_349] : memref<320x128xf32, #tpu.memory_space<vmem>> -> memref<320x64xf32, #tpu.memory_space<vmem>>
    %dma_wait3A_351 = arith.constant 0 : i32
    %dma_wait3A_352 = tpu.memref_slice %arg4[%add3A_337, %dma_wait3A_351] : memref<204800x64xf32, #tpu.memory_space<hbm>> -> memref<320x64xf32, #tpu.memory_space<hbm>>
    %dma_wait3A_353 = arith.constant 0 : i32
    %dma_wait3A_354 = tpu.memref_slice %arg4[%add3A_337, %dma_wait3A_353] : memref<204800x64xf32, #tpu.memory_space<hbm>> -> memref<320x64xf32, #tpu.memory_space<hbm>>
    %dma_wait3A_355 = arith.constant 0 : i32
    %dma_wait3A_356 = arith.constant 0 : i32
    %dma_wait3A_357 = tpu.memref_slice %arg6[%dma_wait3A_355, %dma_wait3A_356] : memref<320x128xf32, #tpu.memory_space<vmem>> -> memref<320x64xf32, #tpu.memory_space<vmem>>
    tpu.wait_dma2 semaphore(%arg10 : memref<!tpu.dma_semaphore, #tpu.memory_space<semaphore_mem>>) src(%dma_wait3A_357 : memref<320x64xf32, #tpu.memory_space<vmem>>) dst(%dma_wait3A_354 : memref<320x64xf32, #tpu.memory_space<hbm>>)
    %dma_start3A_358 = arith.constant 3840 : i32
    %dma_start3A_359 = tpu.memref_slice %arg5[%dma_start3A_358] : memref<6400xi32, #tpu.memory_space<vmem>> -> memref<320xi32, #tpu.memory_space<vmem>>
    %dma_start3A_360 = arith.constant 0 : i32
    %dma_start3A_361 = arith.constant 0 : i32
    %dma_start3A_362 = tpu.memref_slice %arg3[%dma_start3A_360, %dma_start3A_361] : memref<1000001x128xf32, #tpu.memory_space<hbm>> -> memref<1000001x128xf32, #tpu.memory_space<hbm>>
    tpu.enqueue_indirect_dma source(%dma_start3A_362 : memref<1000001x128xf32, #tpu.memory_space<hbm>>) target(%arg6 : memref<320x128xf32, #tpu.memory_space<vmem>>) offsets(%dma_start3A_359 : memref<320xi32, #tpu.memory_space<vmem>>) semaphore(%arg8 : memref<!tpu.dma_semaphore, #tpu.memory_space<semaphore_mem>>)
    %dma_wait3A_363 = arith.constant 3520 : i32
    %dma_wait3A_364 = tpu.memref_slice %arg5[%dma_wait3A_363] : memref<6400xi32, #tpu.memory_space<vmem>> -> memref<320xi32, #tpu.memory_space<vmem>>
    %dma_wait3A_365 = arith.constant 0 : i32
    %dma_wait3A_366 = arith.constant 0 : i32
    %dma_wait3A_367 = tpu.memref_slice %arg3[%dma_wait3A_365, %dma_wait3A_366] : memref<1000001x128xf32, #tpu.memory_space<hbm>> -> memref<1000001x128xf32, #tpu.memory_space<hbm>>
    tpu.wait_indirect_dma semaphore(%arg9 : memref<!tpu.dma_semaphore, #tpu.memory_space<semaphore_mem>>) src(%dma_wait3A_367 : memref<1000001x128xf32, #tpu.memory_space<hbm>>) dst(%arg7 : memref<320x128xf32, #tpu.memory_space<vmem>>)
    %add3A_368 = arith.constant 3520 : i32
    %add3A_369 = arith.addi %mul3A_2, %add3A_368 : i32
    %dma_start3A_370 = arith.constant 0 : i32
    %dma_start3A_371 = arith.constant 0 : i32
    %dma_start3A_372 = tpu.memref_slice %arg7[%dma_start3A_370, %dma_start3A_371] : memref<320x128xf32, #tpu.memory_space<vmem>> -> memref<320x64xf32, #tpu.memory_space<vmem>>
    %dma_start3A_373 = arith.constant 0 : i32
    %dma_start3A_374 = tpu.memref_slice %arg4[%add3A_369, %dma_start3A_373] : memref<204800x64xf32, #tpu.memory_space<hbm>> -> memref<320x64xf32, #tpu.memory_space<hbm>>
    %dma_start3A_375 = arith.constant 0 : i32
    %dma_start3A_376 = tpu.memref_slice %arg4[%add3A_369, %dma_start3A_375] : memref<204800x64xf32, #tpu.memory_space<hbm>> -> memref<320x64xf32, #tpu.memory_space<hbm>>
    %dma_start3A_377 = arith.constant 0 : i32
    %dma_start3A_378 = arith.constant 0 : i32
    %dma_start3A_379 = tpu.memref_slice %arg7[%dma_start3A_377, %dma_start3A_378] : memref<320x128xf32, #tpu.memory_space<vmem>> -> memref<320x64xf32, #tpu.memory_space<vmem>>
    tpu.enqueue_dma source(%dma_start3A_379 : memref<320x64xf32, #tpu.memory_space<vmem>>) target(%dma_start3A_376 : memref<320x64xf32, #tpu.memory_space<hbm>>) target_semaphore(%arg11 : memref<!tpu.dma_semaphore, #tpu.memory_space<semaphore_mem>>)
    %dma_wait3A_380 = arith.constant 0 : i32
    %dma_wait3A_381 = arith.constant 0 : i32
    %dma_wait3A_382 = tpu.memref_slice %arg7[%dma_wait3A_380, %dma_wait3A_381] : memref<320x128xf32, #tpu.memory_space<vmem>> -> memref<320x64xf32, #tpu.memory_space<vmem>>
    %dma_wait3A_383 = arith.constant 0 : i32
    %dma_wait3A_384 = tpu.memref_slice %arg4[%add3A_369, %dma_wait3A_383] : memref<204800x64xf32, #tpu.memory_space<hbm>> -> memref<320x64xf32, #tpu.memory_space<hbm>>
    %dma_wait3A_385 = arith.constant 0 : i32
    %dma_wait3A_386 = tpu.memref_slice %arg4[%add3A_369, %dma_wait3A_385] : memref<204800x64xf32, #tpu.memory_space<hbm>> -> memref<320x64xf32, #tpu.memory_space<hbm>>
    %dma_wait3A_387 = arith.constant 0 : i32
    %dma_wait3A_388 = arith.constant 0 : i32
    %dma_wait3A_389 = tpu.memref_slice %arg7[%dma_wait3A_387, %dma_wait3A_388] : memref<320x128xf32, #tpu.memory_space<vmem>> -> memref<320x64xf32, #tpu.memory_space<vmem>>
    tpu.wait_dma2 semaphore(%arg11 : memref<!tpu.dma_semaphore, #tpu.memory_space<semaphore_mem>>) src(%dma_wait3A_389 : memref<320x64xf32, #tpu.memory_space<vmem>>) dst(%dma_wait3A_386 : memref<320x64xf32, #tpu.memory_space<hbm>>)
    %dma_start3A_390 = arith.constant 4160 : i32
    %dma_start3A_391 = tpu.memref_slice %arg5[%dma_start3A_390] : memref<6400xi32, #tpu.memory_space<vmem>> -> memref<320xi32, #tpu.memory_space<vmem>>
    %dma_start3A_392 = arith.constant 0 : i32
    %dma_start3A_393 = arith.constant 0 : i32
    %dma_start3A_394 = tpu.memref_slice %arg3[%dma_start3A_392, %dma_start3A_393] : memref<1000001x128xf32, #tpu.memory_space<hbm>> -> memref<1000001x128xf32, #tpu.memory_space<hbm>>
    tpu.enqueue_indirect_dma source(%dma_start3A_394 : memref<1000001x128xf32, #tpu.memory_space<hbm>>) target(%arg7 : memref<320x128xf32, #tpu.memory_space<vmem>>) offsets(%dma_start3A_391 : memref<320xi32, #tpu.memory_space<vmem>>) semaphore(%arg9 : memref<!tpu.dma_semaphore, #tpu.memory_space<semaphore_mem>>)
    %dma_wait3A_395 = arith.constant 3840 : i32
    %dma_wait3A_396 = tpu.memref_slice %arg5[%dma_wait3A_395] : memref<6400xi32, #tpu.memory_space<vmem>> -> memref<320xi32, #tpu.memory_space<vmem>>
    %dma_wait3A_397 = arith.constant 0 : i32
    %dma_wait3A_398 = arith.constant 0 : i32
    %dma_wait3A_399 = tpu.memref_slice %arg3[%dma_wait3A_397, %dma_wait3A_398] : memref<1000001x128xf32, #tpu.memory_space<hbm>> -> memref<1000001x128xf32, #tpu.memory_space<hbm>>
    tpu.wait_indirect_dma semaphore(%arg8 : memref<!tpu.dma_semaphore, #tpu.memory_space<semaphore_mem>>) src(%dma_wait3A_399 : memref<1000001x128xf32, #tpu.memory_space<hbm>>) dst(%arg6 : memref<320x128xf32, #tpu.memory_space<vmem>>)
    %add3A_400 = arith.constant 3840 : i32
    %add3A_401 = arith.addi %mul3A_2, %add3A_400 : i32
    %dma_start3A_402 = arith.constant 0 : i32
    %dma_start3A_403 = arith.constant 0 : i32
    %dma_start3A_404 = tpu.memref_slice %arg6[%dma_start3A_402, %dma_start3A_403] : memref<320x128xf32, #tpu.memory_space<vmem>> -> memref<320x64xf32, #tpu.memory_space<vmem>>
    %dma_start3A_405 = arith.constant 0 : i32
    %dma_start3A_406 = tpu.memref_slice %arg4[%add3A_401, %dma_start3A_405] : memref<204800x64xf32, #tpu.memory_space<hbm>> -> memref<320x64xf32, #tpu.memory_space<hbm>>
    %dma_start3A_407 = arith.constant 0 : i32
    %dma_start3A_408 = tpu.memref_slice %arg4[%add3A_401, %dma_start3A_407] : memref<204800x64xf32, #tpu.memory_space<hbm>> -> memref<320x64xf32, #tpu.memory_space<hbm>>
    %dma_start3A_409 = arith.constant 0 : i32
    %dma_start3A_410 = arith.constant 0 : i32
    %dma_start3A_411 = tpu.memref_slice %arg6[%dma_start3A_409, %dma_start3A_410] : memref<320x128xf32, #tpu.memory_space<vmem>> -> memref<320x64xf32, #tpu.memory_space<vmem>>
    tpu.enqueue_dma source(%dma_start3A_411 : memref<320x64xf32, #tpu.memory_space<vmem>>) target(%dma_start3A_408 : memref<320x64xf32, #tpu.memory_space<hbm>>) target_semaphore(%arg10 : memref<!tpu.dma_semaphore, #tpu.memory_space<semaphore_mem>>)
    %dma_wait3A_412 = arith.constant 0 : i32
    %dma_wait3A_413 = arith.constant 0 : i32
    %dma_wait3A_414 = tpu.memref_slice %arg6[%dma_wait3A_412, %dma_wait3A_413] : memref<320x128xf32, #tpu.memory_space<vmem>> -> memref<320x64xf32, #tpu.memory_space<vmem>>
    %dma_wait3A_415 = arith.constant 0 : i32
    %dma_wait3A_416 = tpu.memref_slice %arg4[%add3A_401, %dma_wait3A_415] : memref<204800x64xf32, #tpu.memory_space<hbm>> -> memref<320x64xf32, #tpu.memory_space<hbm>>
    %dma_wait3A_417 = arith.constant 0 : i32
    %dma_wait3A_418 = tpu.memref_slice %arg4[%add3A_401, %dma_wait3A_417] : memref<204800x64xf32, #tpu.memory_space<hbm>> -> memref<320x64xf32, #tpu.memory_space<hbm>>
    %dma_wait3A_419 = arith.constant 0 : i32
    %dma_wait3A_420 = arith.constant 0 : i32
    %dma_wait3A_421 = tpu.memref_slice %arg6[%dma_wait3A_419, %dma_wait3A_420] : memref<320x128xf32, #tpu.memory_space<vmem>> -> memref<320x64xf32, #tpu.memory_space<vmem>>
    tpu.wait_dma2 semaphore(%arg10 : memref<!tpu.dma_semaphore, #tpu.memory_space<semaphore_mem>>) src(%dma_wait3A_421 : memref<320x64xf32, #tpu.memory_space<vmem>>) dst(%dma_wait3A_418 : memref<320x64xf32, #tpu.memory_space<hbm>>)
    %dma_start3A_422 = arith.constant 4480 : i32
    %dma_start3A_423 = tpu.memref_slice %arg5[%dma_start3A_422] : memref<6400xi32, #tpu.memory_space<vmem>> -> memref<320xi32, #tpu.memory_space<vmem>>
    %dma_start3A_424 = arith.constant 0 : i32
    %dma_start3A_425 = arith.constant 0 : i32
    %dma_start3A_426 = tpu.memref_slice %arg3[%dma_start3A_424, %dma_start3A_425] : memref<1000001x128xf32, #tpu.memory_space<hbm>> -> memref<1000001x128xf32, #tpu.memory_space<hbm>>
    tpu.enqueue_indirect_dma source(%dma_start3A_426 : memref<1000001x128xf32, #tpu.memory_space<hbm>>) target(%arg6 : memref<320x128xf32, #tpu.memory_space<vmem>>) offsets(%dma_start3A_423 : memref<320xi32, #tpu.memory_space<vmem>>) semaphore(%arg8 : memref<!tpu.dma_semaphore, #tpu.memory_space<semaphore_mem>>)
    %dma_wait3A_427 = arith.constant 4160 : i32
    %dma_wait3A_428 = tpu.memref_slice %arg5[%dma_wait3A_427] : memref<6400xi32, #tpu.memory_space<vmem>> -> memref<320xi32, #tpu.memory_space<vmem>>
    %dma_wait3A_429 = arith.constant 0 : i32
    %dma_wait3A_430 = arith.constant 0 : i32
    %dma_wait3A_431 = tpu.memref_slice %arg3[%dma_wait3A_429, %dma_wait3A_430] : memref<1000001x128xf32, #tpu.memory_space<hbm>> -> memref<1000001x128xf32, #tpu.memory_space<hbm>>
    tpu.wait_indirect_dma semaphore(%arg9 : memref<!tpu.dma_semaphore, #tpu.memory_space<semaphore_mem>>) src(%dma_wait3A_431 : memref<1000001x128xf32, #tpu.memory_space<hbm>>) dst(%arg7 : memref<320x128xf32, #tpu.memory_space<vmem>>)
    %add3A_432 = arith.constant 4160 : i32
    %add3A_433 = arith.addi %mul3A_2, %add3A_432 : i32
    %dma_start3A_434 = arith.constant 0 : i32
    %dma_start3A_435 = arith.constant 0 : i32
    %dma_start3A_436 = tpu.memref_slice %arg7[%dma_start3A_434, %dma_start3A_435] : memref<320x128xf32, #tpu.memory_space<vmem>> -> memref<320x64xf32, #tpu.memory_space<vmem>>
    %dma_start3A_437 = arith.constant 0 : i32
    %dma_start3A_438 = tpu.memref_slice %arg4[%add3A_433, %dma_start3A_437] : memref<204800x64xf32, #tpu.memory_space<hbm>> -> memref<320x64xf32, #tpu.memory_space<hbm>>
    %dma_start3A_439 = arith.constant 0 : i32
    %dma_start3A_440 = tpu.memref_slice %arg4[%add3A_433, %dma_start3A_439] : memref<204800x64xf32, #tpu.memory_space<hbm>> -> memref<320x64xf32, #tpu.memory_space<hbm>>
    %dma_start3A_441 = arith.constant 0 : i32
    %dma_start3A_442 = arith.constant 0 : i32
    %dma_start3A_443 = tpu.memref_slice %arg7[%dma_start3A_441, %dma_start3A_442] : memref<320x128xf32, #tpu.memory_space<vmem>> -> memref<320x64xf32, #tpu.memory_space<vmem>>
    tpu.enqueue_dma source(%dma_start3A_443 : memref<320x64xf32, #tpu.memory_space<vmem>>) target(%dma_start3A_440 : memref<320x64xf32, #tpu.memory_space<hbm>>) target_semaphore(%arg11 : memref<!tpu.dma_semaphore, #tpu.memory_space<semaphore_mem>>)
    %dma_wait3A_444 = arith.constant 0 : i32
    %dma_wait3A_445 = arith.constant 0 : i32
    %dma_wait3A_446 = tpu.memref_slice %arg7[%dma_wait3A_444, %dma_wait3A_445] : memref<320x128xf32, #tpu.memory_space<vmem>> -> memref<320x64xf32, #tpu.memory_space<vmem>>
    %dma_wait3A_447 = arith.constant 0 : i32
    %dma_wait3A_448 = tpu.memref_slice %arg4[%add3A_433, %dma_wait3A_447] : memref<204800x64xf32, #tpu.memory_space<hbm>> -> memref<320x64xf32, #tpu.memory_space<hbm>>
    %dma_wait3A_449 = arith.constant 0 : i32
    %dma_wait3A_450 = tpu.memref_slice %arg4[%add3A_433, %dma_wait3A_449] : memref<204800x64xf32, #tpu.memory_space<hbm>> -> memref<320x64xf32, #tpu.memory_space<hbm>>
    %dma_wait3A_451 = arith.constant 0 : i32
    %dma_wait3A_452 = arith.constant 0 : i32
    %dma_wait3A_453 = tpu.memref_slice %arg7[%dma_wait3A_451, %dma_wait3A_452] : memref<320x128xf32, #tpu.memory_space<vmem>> -> memref<320x64xf32, #tpu.memory_space<vmem>>
    tpu.wait_dma2 semaphore(%arg11 : memref<!tpu.dma_semaphore, #tpu.memory_space<semaphore_mem>>) src(%dma_wait3A_453 : memref<320x64xf32, #tpu.memory_space<vmem>>) dst(%dma_wait3A_450 : memref<320x64xf32, #tpu.memory_space<hbm>>)
    %dma_start3A_454 = arith.constant 4800 : i32
    %dma_start3A_455 = tpu.memref_slice %arg5[%dma_start3A_454] : memref<6400xi32, #tpu.memory_space<vmem>> -> memref<320xi32, #tpu.memory_space<vmem>>
    %dma_start3A_456 = arith.constant 0 : i32
    %dma_start3A_457 = arith.constant 0 : i32
    %dma_start3A_458 = tpu.memref_slice %arg3[%dma_start3A_456, %dma_start3A_457] : memref<1000001x128xf32, #tpu.memory_space<hbm>> -> memref<1000001x128xf32, #tpu.memory_space<hbm>>
    tpu.enqueue_indirect_dma source(%dma_start3A_458 : memref<1000001x128xf32, #tpu.memory_space<hbm>>) target(%arg7 : memref<320x128xf32, #tpu.memory_space<vmem>>) offsets(%dma_start3A_455 : memref<320xi32, #tpu.memory_space<vmem>>) semaphore(%arg9 : memref<!tpu.dma_semaphore, #tpu.memory_space<semaphore_mem>>)
    %dma_wait3A_459 = arith.constant 4480 : i32
    %dma_wait3A_460 = tpu.memref_slice %arg5[%dma_wait3A_459] : memref<6400xi32, #tpu.memory_space<vmem>> -> memref<320xi32, #tpu.memory_space<vmem>>
    %dma_wait3A_461 = arith.constant 0 : i32
    %dma_wait3A_462 = arith.constant 0 : i32
    %dma_wait3A_463 = tpu.memref_slice %arg3[%dma_wait3A_461, %dma_wait3A_462] : memref<1000001x128xf32, #tpu.memory_space<hbm>> -> memref<1000001x128xf32, #tpu.memory_space<hbm>>
    tpu.wait_indirect_dma semaphore(%arg8 : memref<!tpu.dma_semaphore, #tpu.memory_space<semaphore_mem>>) src(%dma_wait3A_463 : memref<1000001x128xf32, #tpu.memory_space<hbm>>) dst(%arg6 : memref<320x128xf32, #tpu.memory_space<vmem>>)
    %add3A_464 = arith.constant 4480 : i32
    %add3A_465 = arith.addi %mul3A_2, %add3A_464 : i32
    %dma_start3A_466 = arith.constant 0 : i32
    %dma_start3A_467 = arith.constant 0 : i32
    %dma_start3A_468 = tpu.memref_slice %arg6[%dma_start3A_466, %dma_start3A_467] : memref<320x128xf32, #tpu.memory_space<vmem>> -> memref<320x64xf32, #tpu.memory_space<vmem>>
    %dma_start3A_469 = arith.constant 0 : i32
    %dma_start3A_470 = tpu.memref_slice %arg4[%add3A_465, %dma_start3A_469] : memref<204800x64xf32, #tpu.memory_space<hbm>> -> memref<320x64xf32, #tpu.memory_space<hbm>>
    %dma_start3A_471 = arith.constant 0 : i32
    %dma_start3A_472 = tpu.memref_slice %arg4[%add3A_465, %dma_start3A_471] : memref<204800x64xf32, #tpu.memory_space<hbm>> -> memref<320x64xf32, #tpu.memory_space<hbm>>
    %dma_start3A_473 = arith.constant 0 : i32
    %dma_start3A_474 = arith.constant 0 : i32
    %dma_start3A_475 = tpu.memref_slice %arg6[%dma_start3A_473, %dma_start3A_474] : memref<320x128xf32, #tpu.memory_space<vmem>> -> memref<320x64xf32, #tpu.memory_space<vmem>>
    tpu.enqueue_dma source(%dma_start3A_475 : memref<320x64xf32, #tpu.memory_space<vmem>>) target(%dma_start3A_472 : memref<320x64xf32, #tpu.memory_space<hbm>>) target_semaphore(%arg10 : memref<!tpu.dma_semaphore, #tpu.memory_space<semaphore_mem>>)
    %dma_wait3A_476 = arith.constant 0 : i32
    %dma_wait3A_477 = arith.constant 0 : i32
    %dma_wait3A_478 = tpu.memref_slice %arg6[%dma_wait3A_476, %dma_wait3A_477] : memref<320x128xf32, #tpu.memory_space<vmem>> -> memref<320x64xf32, #tpu.memory_space<vmem>>
    %dma_wait3A_479 = arith.constant 0 : i32
    %dma_wait3A_480 = tpu.memref_slice %arg4[%add3A_465, %dma_wait3A_479] : memref<204800x64xf32, #tpu.memory_space<hbm>> -> memref<320x64xf32, #tpu.memory_space<hbm>>
    %dma_wait3A_481 = arith.constant 0 : i32
    %dma_wait3A_482 = tpu.memref_slice %arg4[%add3A_465, %dma_wait3A_481] : memref<204800x64xf32, #tpu.memory_space<hbm>> -> memref<320x64xf32, #tpu.memory_space<hbm>>
    %dma_wait3A_483 = arith.constant 0 : i32
    %dma_wait3A_484 = arith.constant 0 : i32
    %dma_wait3A_485 = tpu.memref_slice %arg6[%dma_wait3A_483, %dma_wait3A_484] : memref<320x128xf32, #tpu.memory_space<vmem>> -> memref<320x64xf32, #tpu.memory_space<vmem>>
    tpu.wait_dma2 semaphore(%arg10 : memref<!tpu.dma_semaphore, #tpu.memory_space<semaphore_mem>>) src(%dma_wait3A_485 : memref<320x64xf32, #tpu.memory_space<vmem>>) dst(%dma_wait3A_482 : memref<320x64xf32, #tpu.memory_space<hbm>>)
    %dma_start3A_486 = arith.constant 5120 : i32
    %dma_start3A_487 = tpu.memref_slice %arg5[%dma_start3A_486] : memref<6400xi32, #tpu.memory_space<vmem>> -> memref<320xi32, #tpu.memory_space<vmem>>
    %dma_start3A_488 = arith.constant 0 : i32
    %dma_start3A_489 = arith.constant 0 : i32
    %dma_start3A_490 = tpu.memref_slice %arg3[%dma_start3A_488, %dma_start3A_489] : memref<1000001x128xf32, #tpu.memory_space<hbm>> -> memref<1000001x128xf32, #tpu.memory_space<hbm>>
    tpu.enqueue_indirect_dma source(%dma_start3A_490 : memref<1000001x128xf32, #tpu.memory_space<hbm>>) target(%arg6 : memref<320x128xf32, #tpu.memory_space<vmem>>) offsets(%dma_start3A_487 : memref<320xi32, #tpu.memory_space<vmem>>) semaphore(%arg8 : memref<!tpu.dma_semaphore, #tpu.memory_space<semaphore_mem>>)
    %dma_wait3A_491 = arith.constant 4800 : i32
    %dma_wait3A_492 = tpu.memref_slice %arg5[%dma_wait3A_491] : memref<6400xi32, #tpu.memory_space<vmem>> -> memref<320xi32, #tpu.memory_space<vmem>>
    %dma_wait3A_493 = arith.constant 0 : i32
    %dma_wait3A_494 = arith.constant 0 : i32
    %dma_wait3A_495 = tpu.memref_slice %arg3[%dma_wait3A_493, %dma_wait3A_494] : memref<1000001x128xf32, #tpu.memory_space<hbm>> -> memref<1000001x128xf32, #tpu.memory_space<hbm>>
    tpu.wait_indirect_dma semaphore(%arg9 : memref<!tpu.dma_semaphore, #tpu.memory_space<semaphore_mem>>) src(%dma_wait3A_495 : memref<1000001x128xf32, #tpu.memory_space<hbm>>) dst(%arg7 : memref<320x128xf32, #tpu.memory_space<vmem>>)
    %add3A_496 = arith.constant 4800 : i32
    %add3A_497 = arith.addi %mul3A_2, %add3A_496 : i32
    %dma_start3A_498 = arith.constant 0 : i32
    %dma_start3A_499 = arith.constant 0 : i32
    %dma_start3A_500 = tpu.memref_slice %arg7[%dma_start3A_498, %dma_start3A_499] : memref<320x128xf32, #tpu.memory_space<vmem>> -> memref<320x64xf32, #tpu.memory_space<vmem>>
    %dma_start3A_501 = arith.constant 0 : i32
    %dma_start3A_502 = tpu.memref_slice %arg4[%add3A_497, %dma_start3A_501] : memref<204800x64xf32, #tpu.memory_space<hbm>> -> memref<320x64xf32, #tpu.memory_space<hbm>>
    %dma_start3A_503 = arith.constant 0 : i32
    %dma_start3A_504 = tpu.memref_slice %arg4[%add3A_497, %dma_start3A_503] : memref<204800x64xf32, #tpu.memory_space<hbm>> -> memref<320x64xf32, #tpu.memory_space<hbm>>
    %dma_start3A_505 = arith.constant 0 : i32
    %dma_start3A_506 = arith.constant 0 : i32
    %dma_start3A_507 = tpu.memref_slice %arg7[%dma_start3A_505, %dma_start3A_506] : memref<320x128xf32, #tpu.memory_space<vmem>> -> memref<320x64xf32, #tpu.memory_space<vmem>>
    tpu.enqueue_dma source(%dma_start3A_507 : memref<320x64xf32, #tpu.memory_space<vmem>>) target(%dma_start3A_504 : memref<320x64xf32, #tpu.memory_space<hbm>>) target_semaphore(%arg11 : memref<!tpu.dma_semaphore, #tpu.memory_space<semaphore_mem>>)
    %dma_wait3A_508 = arith.constant 0 : i32
    %dma_wait3A_509 = arith.constant 0 : i32
    %dma_wait3A_510 = tpu.memref_slice %arg7[%dma_wait3A_508, %dma_wait3A_509] : memref<320x128xf32, #tpu.memory_space<vmem>> -> memref<320x64xf32, #tpu.memory_space<vmem>>
    %dma_wait3A_511 = arith.constant 0 : i32
    %dma_wait3A_512 = tpu.memref_slice %arg4[%add3A_497, %dma_wait3A_511] : memref<204800x64xf32, #tpu.memory_space<hbm>> -> memref<320x64xf32, #tpu.memory_space<hbm>>
    %dma_wait3A_513 = arith.constant 0 : i32
    %dma_wait3A_514 = tpu.memref_slice %arg4[%add3A_497, %dma_wait3A_513] : memref<204800x64xf32, #tpu.memory_space<hbm>> -> memref<320x64xf32, #tpu.memory_space<hbm>>
    %dma_wait3A_515 = arith.constant 0 : i32
    %dma_wait3A_516 = arith.constant 0 : i32
    %dma_wait3A_517 = tpu.memref_slice %arg7[%dma_wait3A_515, %dma_wait3A_516] : memref<320x128xf32, #tpu.memory_space<vmem>> -> memref<320x64xf32, #tpu.memory_space<vmem>>
    tpu.wait_dma2 semaphore(%arg11 : memref<!tpu.dma_semaphore, #tpu.memory_space<semaphore_mem>>) src(%dma_wait3A_517 : memref<320x64xf32, #tpu.memory_space<vmem>>) dst(%dma_wait3A_514 : memref<320x64xf32, #tpu.memory_space<hbm>>)
    %dma_start3A_518 = arith.constant 5440 : i32
    %dma_start3A_519 = tpu.memref_slice %arg5[%dma_start3A_518] : memref<6400xi32, #tpu.memory_space<vmem>> -> memref<320xi32, #tpu.memory_space<vmem>>
    %dma_start3A_520 = arith.constant 0 : i32
    %dma_start3A_521 = arith.constant 0 : i32
    %dma_start3A_522 = tpu.memref_slice %arg3[%dma_start3A_520, %dma_start3A_521] : memref<1000001x128xf32, #tpu.memory_space<hbm>> -> memref<1000001x128xf32, #tpu.memory_space<hbm>>
    tpu.enqueue_indirect_dma source(%dma_start3A_522 : memref<1000001x128xf32, #tpu.memory_space<hbm>>) target(%arg7 : memref<320x128xf32, #tpu.memory_space<vmem>>) offsets(%dma_start3A_519 : memref<320xi32, #tpu.memory_space<vmem>>) semaphore(%arg9 : memref<!tpu.dma_semaphore, #tpu.memory_space<semaphore_mem>>)
    %dma_wait3A_523 = arith.constant 5120 : i32
    %dma_wait3A_524 = tpu.memref_slice %arg5[%dma_wait3A_523] : memref<6400xi32, #tpu.memory_space<vmem>> -> memref<320xi32, #tpu.memory_space<vmem>>
    %dma_wait3A_525 = arith.constant 0 : i32
    %dma_wait3A_526 = arith.constant 0 : i32
    %dma_wait3A_527 = tpu.memref_slice %arg3[%dma_wait3A_525, %dma_wait3A_526] : memref<1000001x128xf32, #tpu.memory_space<hbm>> -> memref<1000001x128xf32, #tpu.memory_space<hbm>>
    tpu.wait_indirect_dma semaphore(%arg8 : memref<!tpu.dma_semaphore, #tpu.memory_space<semaphore_mem>>) src(%dma_wait3A_527 : memref<1000001x128xf32, #tpu.memory_space<hbm>>) dst(%arg6 : memref<320x128xf32, #tpu.memory_space<vmem>>)
    %add3A_528 = arith.constant 5120 : i32
    %add3A_529 = arith.addi %mul3A_2, %add3A_528 : i32
    %dma_start3A_530 = arith.constant 0 : i32
    %dma_start3A_531 = arith.constant 0 : i32
    %dma_start3A_532 = tpu.memref_slice %arg6[%dma_start3A_530, %dma_start3A_531] : memref<320x128xf32, #tpu.memory_space<vmem>> -> memref<320x64xf32, #tpu.memory_space<vmem>>
    %dma_start3A_533 = arith.constant 0 : i32
    %dma_start3A_534 = tpu.memref_slice %arg4[%add3A_529, %dma_start3A_533] : memref<204800x64xf32, #tpu.memory_space<hbm>> -> memref<320x64xf32, #tpu.memory_space<hbm>>
    %dma_start3A_535 = arith.constant 0 : i32
    %dma_start3A_536 = tpu.memref_slice %arg4[%add3A_529, %dma_start3A_535] : memref<204800x64xf32, #tpu.memory_space<hbm>> -> memref<320x64xf32, #tpu.memory_space<hbm>>
    %dma_start3A_537 = arith.constant 0 : i32
    %dma_start3A_538 = arith.constant 0 : i32
    %dma_start3A_539 = tpu.memref_slice %arg6[%dma_start3A_537, %dma_start3A_538] : memref<320x128xf32, #tpu.memory_space<vmem>> -> memref<320x64xf32, #tpu.memory_space<vmem>>
    tpu.enqueue_dma source(%dma_start3A_539 : memref<320x64xf32, #tpu.memory_space<vmem>>) target(%dma_start3A_536 : memref<320x64xf32, #tpu.memory_space<hbm>>) target_semaphore(%arg10 : memref<!tpu.dma_semaphore, #tpu.memory_space<semaphore_mem>>)
    %dma_wait3A_540 = arith.constant 0 : i32
    %dma_wait3A_541 = arith.constant 0 : i32
    %dma_wait3A_542 = tpu.memref_slice %arg6[%dma_wait3A_540, %dma_wait3A_541] : memref<320x128xf32, #tpu.memory_space<vmem>> -> memref<320x64xf32, #tpu.memory_space<vmem>>
    %dma_wait3A_543 = arith.constant 0 : i32
    %dma_wait3A_544 = tpu.memref_slice %arg4[%add3A_529, %dma_wait3A_543] : memref<204800x64xf32, #tpu.memory_space<hbm>> -> memref<320x64xf32, #tpu.memory_space<hbm>>
    %dma_wait3A_545 = arith.constant 0 : i32
    %dma_wait3A_546 = tpu.memref_slice %arg4[%add3A_529, %dma_wait3A_545] : memref<204800x64xf32, #tpu.memory_space<hbm>> -> memref<320x64xf32, #tpu.memory_space<hbm>>
    %dma_wait3A_547 = arith.constant 0 : i32
    %dma_wait3A_548 = arith.constant 0 : i32
    %dma_wait3A_549 = tpu.memref_slice %arg6[%dma_wait3A_547, %dma_wait3A_548] : memref<320x128xf32, #tpu.memory_space<vmem>> -> memref<320x64xf32, #tpu.memory_space<vmem>>
    tpu.wait_dma2 semaphore(%arg10 : memref<!tpu.dma_semaphore, #tpu.memory_space<semaphore_mem>>) src(%dma_wait3A_549 : memref<320x64xf32, #tpu.memory_space<vmem>>) dst(%dma_wait3A_546 : memref<320x64xf32, #tpu.memory_space<hbm>>)
    %dma_start3A_550 = arith.constant 5760 : i32
    %dma_start3A_551 = tpu.memref_slice %arg5[%dma_start3A_550] : memref<6400xi32, #tpu.memory_space<vmem>> -> memref<320xi32, #tpu.memory_space<vmem>>
    %dma_start3A_552 = arith.constant 0 : i32
    %dma_start3A_553 = arith.constant 0 : i32
    %dma_start3A_554 = tpu.memref_slice %arg3[%dma_start3A_552, %dma_start3A_553] : memref<1000001x128xf32, #tpu.memory_space<hbm>> -> memref<1000001x128xf32, #tpu.memory_space<hbm>>
    tpu.enqueue_indirect_dma source(%dma_start3A_554 : memref<1000001x128xf32, #tpu.memory_space<hbm>>) target(%arg6 : memref<320x128xf32, #tpu.memory_space<vmem>>) offsets(%dma_start3A_551 : memref<320xi32, #tpu.memory_space<vmem>>) semaphore(%arg8 : memref<!tpu.dma_semaphore, #tpu.memory_space<semaphore_mem>>)
    %dma_wait3A_555 = arith.constant 5440 : i32
    %dma_wait3A_556 = tpu.memref_slice %arg5[%dma_wait3A_555] : memref<6400xi32, #tpu.memory_space<vmem>> -> memref<320xi32, #tpu.memory_space<vmem>>
    %dma_wait3A_557 = arith.constant 0 : i32
    %dma_wait3A_558 = arith.constant 0 : i32
    %dma_wait3A_559 = tpu.memref_slice %arg3[%dma_wait3A_557, %dma_wait3A_558] : memref<1000001x128xf32, #tpu.memory_space<hbm>> -> memref<1000001x128xf32, #tpu.memory_space<hbm>>
    tpu.wait_indirect_dma semaphore(%arg9 : memref<!tpu.dma_semaphore, #tpu.memory_space<semaphore_mem>>) src(%dma_wait3A_559 : memref<1000001x128xf32, #tpu.memory_space<hbm>>) dst(%arg7 : memref<320x128xf32, #tpu.memory_space<vmem>>)
    %add3A_560 = arith.constant 5440 : i32
    %add3A_561 = arith.addi %mul3A_2, %add3A_560 : i32
    %dma_start3A_562 = arith.constant 0 : i32
    %dma_start3A_563 = arith.constant 0 : i32
    %dma_start3A_564 = tpu.memref_slice %arg7[%dma_start3A_562, %dma_start3A_563] : memref<320x128xf32, #tpu.memory_space<vmem>> -> memref<320x64xf32, #tpu.memory_space<vmem>>
    %dma_start3A_565 = arith.constant 0 : i32
    %dma_start3A_566 = tpu.memref_slice %arg4[%add3A_561, %dma_start3A_565] : memref<204800x64xf32, #tpu.memory_space<hbm>> -> memref<320x64xf32, #tpu.memory_space<hbm>>
    %dma_start3A_567 = arith.constant 0 : i32
    %dma_start3A_568 = tpu.memref_slice %arg4[%add3A_561, %dma_start3A_567] : memref<204800x64xf32, #tpu.memory_space<hbm>> -> memref<320x64xf32, #tpu.memory_space<hbm>>
    %dma_start3A_569 = arith.constant 0 : i32
    %dma_start3A_570 = arith.constant 0 : i32
    %dma_start3A_571 = tpu.memref_slice %arg7[%dma_start3A_569, %dma_start3A_570] : memref<320x128xf32, #tpu.memory_space<vmem>> -> memref<320x64xf32, #tpu.memory_space<vmem>>
    tpu.enqueue_dma source(%dma_start3A_571 : memref<320x64xf32, #tpu.memory_space<vmem>>) target(%dma_start3A_568 : memref<320x64xf32, #tpu.memory_space<hbm>>) target_semaphore(%arg11 : memref<!tpu.dma_semaphore, #tpu.memory_space<semaphore_mem>>)
    %dma_wait3A_572 = arith.constant 0 : i32
    %dma_wait3A_573 = arith.constant 0 : i32
    %dma_wait3A_574 = tpu.memref_slice %arg7[%dma_wait3A_572, %dma_wait3A_573] : memref<320x128xf32, #tpu.memory_space<vmem>> -> memref<320x64xf32, #tpu.memory_space<vmem>>
    %dma_wait3A_575 = arith.constant 0 : i32
    %dma_wait3A_576 = tpu.memref_slice %arg4[%add3A_561, %dma_wait3A_575] : memref<204800x64xf32, #tpu.memory_space<hbm>> -> memref<320x64xf32, #tpu.memory_space<hbm>>
    %dma_wait3A_577 = arith.constant 0 : i32
    %dma_wait3A_578 = tpu.memref_slice %arg4[%add3A_561, %dma_wait3A_577] : memref<204800x64xf32, #tpu.memory_space<hbm>> -> memref<320x64xf32, #tpu.memory_space<hbm>>
    %dma_wait3A_579 = arith.constant 0 : i32
    %dma_wait3A_580 = arith.constant 0 : i32
    %dma_wait3A_581 = tpu.memref_slice %arg7[%dma_wait3A_579, %dma_wait3A_580] : memref<320x128xf32, #tpu.memory_space<vmem>> -> memref<320x64xf32, #tpu.memory_space<vmem>>
    tpu.wait_dma2 semaphore(%arg11 : memref<!tpu.dma_semaphore, #tpu.memory_space<semaphore_mem>>) src(%dma_wait3A_581 : memref<320x64xf32, #tpu.memory_space<vmem>>) dst(%dma_wait3A_578 : memref<320x64xf32, #tpu.memory_space<hbm>>)
    %dma_start3A_582 = arith.constant 6080 : i32
    %dma_start3A_583 = tpu.memref_slice %arg5[%dma_start3A_582] : memref<6400xi32, #tpu.memory_space<vmem>> -> memref<320xi32, #tpu.memory_space<vmem>>
    %dma_start3A_584 = arith.constant 0 : i32
    %dma_start3A_585 = arith.constant 0 : i32
    %dma_start3A_586 = tpu.memref_slice %arg3[%dma_start3A_584, %dma_start3A_585] : memref<1000001x128xf32, #tpu.memory_space<hbm>> -> memref<1000001x128xf32, #tpu.memory_space<hbm>>
    tpu.enqueue_indirect_dma source(%dma_start3A_586 : memref<1000001x128xf32, #tpu.memory_space<hbm>>) target(%arg7 : memref<320x128xf32, #tpu.memory_space<vmem>>) offsets(%dma_start3A_583 : memref<320xi32, #tpu.memory_space<vmem>>) semaphore(%arg9 : memref<!tpu.dma_semaphore, #tpu.memory_space<semaphore_mem>>)
    %dma_wait3A_587 = arith.constant 5760 : i32
    %dma_wait3A_588 = tpu.memref_slice %arg5[%dma_wait3A_587] : memref<6400xi32, #tpu.memory_space<vmem>> -> memref<320xi32, #tpu.memory_space<vmem>>
    %dma_wait3A_589 = arith.constant 0 : i32
    %dma_wait3A_590 = arith.constant 0 : i32
    %dma_wait3A_591 = tpu.memref_slice %arg3[%dma_wait3A_589, %dma_wait3A_590] : memref<1000001x128xf32, #tpu.memory_space<hbm>> -> memref<1000001x128xf32, #tpu.memory_space<hbm>>
    tpu.wait_indirect_dma semaphore(%arg8 : memref<!tpu.dma_semaphore, #tpu.memory_space<semaphore_mem>>) src(%dma_wait3A_591 : memref<1000001x128xf32, #tpu.memory_space<hbm>>) dst(%arg6 : memref<320x128xf32, #tpu.memory_space<vmem>>)
    %add3A_592 = arith.constant 5760 : i32
    %add3A_593 = arith.addi %mul3A_2, %add3A_592 : i32
    %dma_start3A_594 = arith.constant 0 : i32
    %dma_start3A_595 = arith.constant 0 : i32
    %dma_start3A_596 = tpu.memref_slice %arg6[%dma_start3A_594, %dma_start3A_595] : memref<320x128xf32, #tpu.memory_space<vmem>> -> memref<320x64xf32, #tpu.memory_space<vmem>>
    %dma_start3A_597 = arith.constant 0 : i32
    %dma_start3A_598 = tpu.memref_slice %arg4[%add3A_593, %dma_start3A_597] : memref<204800x64xf32, #tpu.memory_space<hbm>> -> memref<320x64xf32, #tpu.memory_space<hbm>>
    %dma_start3A_599 = arith.constant 0 : i32
    %dma_start3A_600 = tpu.memref_slice %arg4[%add3A_593, %dma_start3A_599] : memref<204800x64xf32, #tpu.memory_space<hbm>> -> memref<320x64xf32, #tpu.memory_space<hbm>>
    %dma_start3A_601 = arith.constant 0 : i32
    %dma_start3A_602 = arith.constant 0 : i32
    %dma_start3A_603 = tpu.memref_slice %arg6[%dma_start3A_601, %dma_start3A_602] : memref<320x128xf32, #tpu.memory_space<vmem>> -> memref<320x64xf32, #tpu.memory_space<vmem>>
    tpu.enqueue_dma source(%dma_start3A_603 : memref<320x64xf32, #tpu.memory_space<vmem>>) target(%dma_start3A_600 : memref<320x64xf32, #tpu.memory_space<hbm>>) target_semaphore(%arg10 : memref<!tpu.dma_semaphore, #tpu.memory_space<semaphore_mem>>)
    %dma_wait3A_604 = arith.constant 6080 : i32
    %dma_wait3A_605 = tpu.memref_slice %arg5[%dma_wait3A_604] : memref<6400xi32, #tpu.memory_space<vmem>> -> memref<320xi32, #tpu.memory_space<vmem>>
    %dma_wait3A_606 = arith.constant 0 : i32
    %dma_wait3A_607 = arith.constant 0 : i32
    %dma_wait3A_608 = tpu.memref_slice %arg3[%dma_wait3A_606, %dma_wait3A_607] : memref<1000001x128xf32, #tpu.memory_space<hbm>> -> memref<1000001x128xf32, #tpu.memory_space<hbm>>
    tpu.wait_indirect_dma semaphore(%arg9 : memref<!tpu.dma_semaphore, #tpu.memory_space<semaphore_mem>>) src(%dma_wait3A_608 : memref<1000001x128xf32, #tpu.memory_space<hbm>>) dst(%arg7 : memref<320x128xf32, #tpu.memory_space<vmem>>)
    %add3A_609 = arith.constant 6080 : i32
    %add3A_610 = arith.addi %mul3A_2, %add3A_609 : i32
    %dma_start3A_611 = arith.constant 0 : i32
    %dma_start3A_612 = arith.constant 0 : i32
    %dma_start3A_613 = tpu.memref_slice %arg7[%dma_start3A_611, %dma_start3A_612] : memref<320x128xf32, #tpu.memory_space<vmem>> -> memref<320x64xf32, #tpu.memory_space<vmem>>
    %dma_start3A_614 = arith.constant 0 : i32
    %dma_start3A_615 = tpu.memref_slice %arg4[%add3A_610, %dma_start3A_614] : memref<204800x64xf32, #tpu.memory_space<hbm>> -> memref<320x64xf32, #tpu.memory_space<hbm>>
    %dma_start3A_616 = arith.constant 0 : i32
    %dma_start3A_617 = tpu.memref_slice %arg4[%add3A_610, %dma_start3A_616] : memref<204800x64xf32, #tpu.memory_space<hbm>> -> memref<320x64xf32, #tpu.memory_space<hbm>>
    %dma_start3A_618 = arith.constant 0 : i32
    %dma_start3A_619 = arith.constant 0 : i32
    %dma_start3A_620 = tpu.memref_slice %arg7[%dma_start3A_618, %dma_start3A_619] : memref<320x128xf32, #tpu.memory_space<vmem>> -> memref<320x64xf32, #tpu.memory_space<vmem>>
    tpu.enqueue_dma source(%dma_start3A_620 : memref<320x64xf32, #tpu.memory_space<vmem>>) target(%dma_start3A_617 : memref<320x64xf32, #tpu.memory_space<hbm>>) target_semaphore(%arg11 : memref<!tpu.dma_semaphore, #tpu.memory_space<semaphore_mem>>)
    %dma_wait3A_621 = arith.constant 0 : i32
    %dma_wait3A_622 = arith.constant 0 : i32
    %dma_wait3A_623 = tpu.memref_slice %arg6[%dma_wait3A_621, %dma_wait3A_622] : memref<320x128xf32, #tpu.memory_space<vmem>> -> memref<320x64xf32, #tpu.memory_space<vmem>>
    %dma_wait3A_624 = arith.constant 0 : i32
    %dma_wait3A_625 = tpu.memref_slice %arg4[%add3A_593, %dma_wait3A_624] : memref<204800x64xf32, #tpu.memory_space<hbm>> -> memref<320x64xf32, #tpu.memory_space<hbm>>
    %dma_wait3A_626 = arith.constant 0 : i32
    %dma_wait3A_627 = tpu.memref_slice %arg4[%add3A_593, %dma_wait3A_626] : memref<204800x64xf32, #tpu.memory_space<hbm>> -> memref<320x64xf32, #tpu.memory_space<hbm>>
    %dma_wait3A_628 = arith.constant 0 : i32
    %dma_wait3A_629 = arith.constant 0 : i32
    %dma_wait3A_630 = tpu.memref_slice %arg6[%dma_wait3A_628, %dma_wait3A_629] : memref<320x128xf32, #tpu.memory_space<vmem>> -> memref<320x64xf32, #tpu.memory_space<vmem>>
    tpu.wait_dma2 semaphore(%arg10 : memref<!tpu.dma_semaphore, #tpu.memory_space<semaphore_mem>>) src(%dma_wait3A_630 : memref<320x64xf32, #tpu.memory_space<vmem>>) dst(%dma_wait3A_627 : memref<320x64xf32, #tpu.memory_space<hbm>>)
    %dma_wait3A_631 = arith.constant 0 : i32
    %dma_wait3A_632 = arith.constant 0 : i32
    %dma_wait3A_633 = tpu.memref_slice %arg7[%dma_wait3A_631, %dma_wait3A_632] : memref<320x128xf32, #tpu.memory_space<vmem>> -> memref<320x64xf32, #tpu.memory_space<vmem>>
    %dma_wait3A_634 = arith.constant 0 : i32
    %dma_wait3A_635 = tpu.memref_slice %arg4[%add3A_610, %dma_wait3A_634] : memref<204800x64xf32, #tpu.memory_space<hbm>> -> memref<320x64xf32, #tpu.memory_space<hbm>>
    %dma_wait3A_636 = arith.constant 0 : i32
    %dma_wait3A_637 = tpu.memref_slice %arg4[%add3A_610, %dma_wait3A_636] : memref<204800x64xf32, #tpu.memory_space<hbm>> -> memref<320x64xf32, #tpu.memory_space<hbm>>
    %dma_wait3A_638 = arith.constant 0 : i32
    %dma_wait3A_639 = arith.constant 0 : i32
    %dma_wait3A_640 = tpu.memref_slice %arg7[%dma_wait3A_638, %dma_wait3A_639] : memref<320x128xf32, #tpu.memory_space<vmem>> -> memref<320x64xf32, #tpu.memory_space<vmem>>
    tpu.wait_dma2 semaphore(%arg11 : memref<!tpu.dma_semaphore, #tpu.memory_space<semaphore_mem>>) src(%dma_wait3A_640 : memref<320x64xf32, #tpu.memory_space<vmem>>) dst(%dma_wait3A_637 : memref<320x64xf32, #tpu.memory_space<hbm>>)
    return
  }
}

</mosaic_0001>

<sc_bundles>
// kernel: kernel.3.cloned.1.call-start
scs
__scs_entry_jumppad:
0x0: {  	(pc) =	sbr.rel $0x88, $3  }
0x1: {  	(tag) =	ssettag $0x0;
	lr =	simm.s32 $0x1  }
0x2: {  	[smem:$0x3F9F] =	sst lr;
	_ =	strace $0xD0000000  }
0x3: {  	_ = 	snop  }
0x4: {  	_ = 	snop  }
0x5: {  	_ = 	snop  }
0x6: {  	_ = 	snop  }
0x7: {  	_ = 	snop  }
__scs_overlays_trampoline_lowered:
0x8: {  	[smem:$0x3FAE] =	sst s0  }
0x9: {  	[smem:$0x3FAF] =	sst s1  }
0xa: {  	[smem:$0x3FB0] =	sst s2  }
0xb: {  	[smem:$0x3FB1] =	sst s3  }
0xc: {  	[smem:$0x3FB2] =	sst s4  }
0xd: {  	[smem:$0x3FB3] =	sst s5  }
0xe: {  	[smem:$0x3FB4] =	sst s6  }
0xf: {  	[smem:$0x3FB5] =	sst s7  }
0x10: {  	[smem:$0x3FB6] =	sst s8  }
0x11: {  	[smem:$0x3FB7] =	sst s9;
	s0 =	simm.s32 @!p0 $0x0  }
0x12: {  	s1 =	sld [smem:$0x3F9D];
	s0 =	simm.s32 @p0 $0x1  }
0x13: {  	[smem:$0x3FB8] =	sst s0;
	s0 =	simm.s32 @!p1 $0x0  }
0x14: {  	s2 =	sld [smem:$0x3F9C];
	s0 =	simm.s32 @p1 $0x1  }
0x15: {  	[smem:$0x3FB9] =	sst s0;
	s0 =	simm.s32 @!p2 $0x0  }
0x16: {  	s3 =	sld [smem:$0x3FDB];
	s0 =	simm.s32 @p2 $0x1  }
0x17: {  	s4 =	simm.s32 $0x1BF5;
	[smem:$0x3FBB] =	sst s0  }
0x18: {  	s0 =	sld [smem:$0x3F9E];
	_ =	swait.ge [sflag:s4], $0x0  }
0x19: {  	s7 =	sld [smem:$0x3F9F]  }
0x1a: {  	s8 =	sadd.s32 $0xFFFFE003, lr  }
0x1b: {  	s9 =	sadd.s32 $0xFFFFFEF7, lr;
	s5 =	simm.s32 $0xFFFFFFFF;
	p2 =	slt.u32 s8, $0xFFFFF086  }
0x1c: {  	p1 =	slt.u32 s9, $0xF7A;
	s5 =	simm.s32 @!p2 $0x0  }
0x1d: {  	s5 =	simm.s32 @p1 $0x1;
	p0 =	seq.s32 s7, s2  }
0x1e: {  	s7 =	smul.u32 @!p0 $0xF7A, s2;
	p2 =	seq.s32 @!p0 s5, $0x0  }
0x1f: {  	s9 =	smul.u32 $0xF7A, s1;
	s8 =	simm.s32 @!p0 $0x1BF5;
	p2 =	por !p2, p0  }
0x20: {  	[sflag:s8] =	ssyncset.s32 @!p0 $0xFFFFF086;
	s6 =	sadd.s32 @!p0 s3, s7;
	s7 =	simm.s32 @!p0 $0x108  }
0x21: {  	s3 =	sadd.s32 s3, s9;
	s6 =	sadd.s32 @!p0 $0x88, s6;
	s7 =	simm.s32 @p2 $0x1082  }
0x22: {  	[simem:s7], [sflag:s8] =	dma.local @!p0 [hbm:s6], $0xF7A  }
0x23: {  	s9 =	sor.u32 $0xD0000000, s2;
	s6 =	simm.s32 $0x108;
	_ =	swait.ge @!p0 [sflag:s8], $0x0  }
0x24: {  	s3 =	sadd.s32 $0x88, s3;
	s6 =	simm.s32 @!p1 $0x1082;
	[sflag:s4] =	ssyncset.s32 $0xFFFFF086  }
0x25: {  	[simem:s6], [sflag:s4] =	dma.local [hbm:s3], $0xF7A  }
0x26: {  	[smem:$0x3F9F] =	sst s1;
	(tag) =	ssettag s2;
	_ =	strace s9  }
0x27: {  	s1 =	sld [smem:$0x3FAF]  }
0x28: {  	s2 =	sld [smem:$0x3FB0]  }
0x29: {  	s4 =	sld [smem:$0x3FB2]  }
0x2a: {  	p0 =	seq.s32 s5, $0x0;
	s5 =	sld [smem:$0x3FB3]  }
0x2b: {  	s6 =	sld [smem:$0x3FB4]  }
0x2c: {  	s7 =	sld [smem:$0x3FB5]  }
0x2d: {  	s3 =	simm.s32 $0x108;
	s8 =	sld [smem:$0x3FB6]  }
0x2e: {  	s3 =	simm.s32 @!p0 $0x1082;
	s9 =	sld [smem:$0x3FB7]  }
0x2f: {  	lr =	sadd.s32 s0, s3;
	s0 =	sld [smem:$0x3FAE]  }
0x30: {  	s3 =	sld [smem:$0x3FB1]  }
0x31: {  	[smem:$0x3FBA] =	sst s10  }
0x32: {  	s10 =	sld [smem:$0x3FB8];
	_ =	sdelay $0x3  }
0x33: {  	p0 =	seq.s32 s10, $0x1;
	s10 =	sld [smem:$0x3FBA];
	_ =	sdelay $0x3  }
0x34: {  	[smem:$0x3FBA] =	sst s10  }
0x35: {  	s10 =	sld [smem:$0x3FB9];
	_ =	sdelay $0x3  }
0x36: {  	p1 =	seq.s32 s10, $0x1;
	s10 =	sld [smem:$0x3FBA];
	_ =	sdelay $0x3  }
0x37: {  	[smem:$0x3FBA] =	sst s10  }
0x38: {  	s10 =	sld [smem:$0x3FBB]  }
0x39: {  	_ = 	snop;
	(pc) =	sbr.ind lr, $3  }
0x3a: {  	_ = 	snop  }
0x3b: {  	_ = 	snop  }
0x3c: {  	p2 =	seq.s32 s10, $0x1;
	s10 =	sld [smem:$0x3FBA]  }
0x3d: {  	_ =	shalt  }
0x3e: {  	_ =	shalt  }
0x3f: {  	_ =	shalt  }
0x40: {  	_ =	shalt  }
0x41: {  	_ =	shalt  }
0x42: {  	_ =	shalt  }
0x43: {  	_ =	shalt  }
0x44: {  	_ =	shalt  }
0x45: {  	_ =	shalt  }
0x46: {  	_ =	shalt  }
0x47: {  	_ =	shalt  }
0x48: {  	_ =	shalt  }
0x49: {  	_ =	shalt  }
0x4a: {  	_ =	shalt  }
0x4b: {  	_ =	shalt  }
0x4c: {  	_ =	shalt  }
0x4d: {  	_ =	shalt  }
0x4e: {  	_ =	shalt  }
0x4f: {  	_ =	shalt  }
0x50: {  	_ =	shalt  }
0x51: {  	_ =	shalt  }
0x52: {  	_ =	shalt  }
0x53: {  	_ =	shalt  }
0x54: {  	_ =	shalt  }
0x55: {  	_ =	shalt  }
0x56: {  	_ =	shalt  }
0x57: {  	_ =	shalt  }
0x58: {  	_ =	shalt  }
0x59: {  	_ =	shalt  }
0x5a: {  	_ =	shalt  }
0x5b: {  	_ =	shalt  }
0x5c: {  	_ =	shalt  }
0x5d: {  	_ =	shalt  }
0x5e: {  	_ =	shalt  }
0x5f: {  	_ =	shalt  }
0x60: {  	_ =	shalt  }
0x61: {  	_ =	shalt  }
0x62: {  	_ =	shalt  }
0x63: {  	_ =	shalt  }
0x64: {  	_ =	shalt  }
0x65: {  	_ =	shalt  }
0x66: {  	_ =	shalt  }
0x67: {  	_ =	shalt  }
0x68: {  	_ =	shalt  }
0x69: {  	_ =	shalt  }
0x6a: {  	_ =	shalt  }
0x6b: {  	_ =	shalt  }
0x6c: {  	_ =	shalt  }
0x6d: {  	_ =	shalt  }
0x6e: {  	_ =	shalt  }
0x6f: {  	_ =	shalt  }
0x70: {  	_ =	shalt  }
0x71: {  	_ =	shalt  }
0x72: {  	_ =	shalt  }
0x73: {  	_ =	shalt  }
0x74: {  	_ =	shalt  }
0x75: {  	_ =	shalt  }
0x76: {  	_ =	shalt  }
0x77: {  	_ =	shalt  }
0x78: {  	_ =	shalt  }
0x79: {  	_ =	shalt  }
0x7a: {  	_ =	shalt  }
0x7b: {  	_ =	shalt  }
0x7c: {  	_ =	shalt  }
0x7d: {  	_ =	shalt  }
0x7e: {  	_ =	shalt  }
0x7f: {  	_ =	shalt  }
0x80: {  	_ =	shalt  }
0x81: {  	_ =	shalt  }
0x82: {  	_ =	shalt  }
0x83: {  	_ =	shalt  }
0x84: {  	_ =	shalt  }
0x85: {  	_ =	shalt  }
0x86: {  	_ =	shalt  }
0x87: {  	_ =	shalt  }
.Lfunc_end0:
.L_simem_size_0:
called_computation.1_lowered:
.L_overlay_start_0:
0x88: {  	s2 =	sld [smem:$0x3FD9]  }
0x89: {  	s3 =	sld [smem:$0x3FFE];
	_ =	sdelay $0x1  }
0x8a: {  	s1 =	srdreg.scid  }
0x8b: {  	s0 =	sand.u32 $0x1, s1  }
0x8c: {  	s17 =	sshll.u32 s0, $0xA;
	s2 =	sadd.s32 s3, s2  }
0x8d: {  	s2 =	sadd.s32 s2, s17  }
0x8e: {  	[smem:$0x3FC6] =	sst s2  }
0x8f: {  	_ = 	snop  }
0x90: {  	s2 =	sld [smem:$0x3FD0];
	(tm) =	ssettm $0x1  }
0x91: {  	s18 =	sld [smem:$0x3FFB];
	_ =	sdelay $0x3  }
0x92: {  	_ =	strace s18  }
0x93: {  	s3 =	sld [smem:$0x3FFC];
	_ =	sdelay $0x3  }
0x94: {  	_ =	strace s3  }
0x95: {  	s3 =	sld [smem:$0x3FFD];
	_ =	sdelay $0x3  }
0x96: {  	_ =	strace s3  }
0x97: {  	_ =	strace $0x8FFFFFFF  }
0x98: {  	s19 =	sld [smem:$0x3FDB];
	_ =	sdelay $0x1  }
0x99: {  	s4 =	simm.s32 $_scs_section_size  }
0x9a: {  	s5 =	simm.s32 $_size__tile_overlayer_lowered;
	s6 =	simm.s32 $_tile_overlayer_lowered  }
0x9b: {  	s22 =	simm.s32 $0x1BFF;
	s21 =	sshll.u32 s6, $0x1;
	s3 =	sadd.s32 s4, s19  }
0x9c: {  	s7 =	simm.s32 $0x0;
	s20 =	sshll.u32 s5, $0x1;
	s5 =	sadd.s32 s21, s3  }
0x9d: {  	[timem:s7], [sflag:s22] =	dma.local [hbm:s5], s20  }
0x9e: {  	_ =	swait.ge [sflag:s22], s20  }
0x9f: {  	s4 =	ssub.s32 $0x0, s20;
	[sflag:s22] =	ssyncset.done $0x0  }
0xa0: {  	[sflag:s22] =	ssyncadd.s32 s4;
	_ =	sdelay $0x1  }
0xa1: {  	s23 =	simm.s32 $0x1B8B  }
0xa2: {  	_ =	swait.ge [sflag:s23], $0x1  }
0xa3: {  	[sflag:s23] =	ssyncset.done $0x0  }
0xa4: {  	s25 =	simm.s32 $0x1B8E;
	s24 =	sld [smem:$0x3FFE];
	[sflag:s23] =	ssyncadd.s32 $0xFFFFFFFF  }
0xa5: {  	s26 =	simm.s32 $execute0_lowered;
	[smem:$0x3FD2] =	sst s25  }
0xa6: {  	s5 =	sshll.u32 s26, $0x1;
	_ =	strace $0x80000046;
	[dreg:$0x1] =	wrdreg $0xFFFFFFFF  }
0xa7: {  	s28 =	simm.s32 $_size_execute0_lowered;
	s3 =	sadd.s32 s3, s5;
	[dreg:$0x0] =	wrdreg $0x0  }
0xa8: {  	s5 =	sshll.u32 s28, $0x1;
	[dreg:$0x2] =	wrdreg s3  }
0xa9: {  	[dreg:$0x3] =	wrdreg s5  }
0xaa: {  	[dreg:$0x4] =	wrdreg $0xC0  }
0xab: {  	_ =	task [dreg:s7], $0x5FFFF  }
0xac: {  	[dreg:$0x1] =	wrdreg $0xFFFFFFFF  }
0xad: {  	[dreg:$0x0] =	wrdreg $0x60  }
0xae: {  	[dreg:$0x2] =	wrdreg s24  }
0xaf: {  	[dreg:$0x3] =	wrdreg s2  }
0xb0: {  	[dreg:$0x4] =	wrdreg $0x9  }
0xb1: {  	_ =	task.clear_ibuf [dreg:s7], $0x5FFFF;
	_ =	strace $0x90000046  }
0xb2: {  	s29 =	simm.s32 $0x9;
	_ =	strace $0x80000048  }
0xb3: {  	_ =	swait.ge [sflag:s29], $0x1  }
0xb4: {  	[sflag:s29] =	ssyncadd.s32 $0xFFFFFFFF  }
0xb5: {  	_ =	strace $0x90000048  }
0xb6: {  	_ =	sfence  }
0xb7: {  	s30 =	sld [smem:$0x0];
	_ =	sdelay $0x2  }
0xb8: {  	s31 =	sshll.u32 s1, $0xD;
	s1 =	sshrl.u32 s1, $0x2  }
0xb9: {  	s3 =	sand.u32 $0x4000, s31;
	s1 =	sadd.s32 s1, s30  }
0xba: {  	s0 =	sor.u32 s3, s0;
	s1 =	sshll.u32 s1, $0x11  }
0xbb: {  	s0 =	sor.u32 s1, s0  }
0xbc: {  	s0 =	sadd.s32 $0x8F2B, s0  }
0xbd: {  	[sflag:s0] =	ssyncadd.remote.s32 $0x1  }
0xbe: {  	_ =	sfence.sel $0xFFFF  }
0xbf: {  	[dreg:$0x0] =	wrdreg $0xFFFFFFFF;
	(pc) =	sbr.abs _section_cstart, $3  }
0xc0: {  	[dreg:$0x1] =	wrdreg $0xFFFFFFFF  }
0xc1: {  	_ =	task.clear_ibuf [dreg:s7], $0x2FFFF;
	_ =	strace $0x9FFFFFFF  }
0xc2: {  	(tm) =	ssettm $0x7FFFFFFF  }
0xc3: {  	_ =	shalt  }
tec
execute0_lowered:
.L_overlay_start_1:
0x0: {  	(tag) =	ssettag $0x1  }
0x1: {  	s1 =	srdreg.scid;
	s2 =	stileid.u32  }
0x2: {  	s0 =	rddreg [dreg:$0x0];
	s1 =	sand.u32 $0x1, s1;
	s3 =	sshll.u32 s2, $0x1  }
0x3: {  	s4 =	rddreg [dreg:$0x1];
	s28 =	simm.s32 $0x140;
	s5 =	sor.u32 s1, s3  }
0x4: {  	s30 =	simm.s32 $0x1;
	s2 =	simm.s32 $0x0;
	s3 =	smul.u32 $0x320, s5  }
0x5: {  	s31 =	simm.s32 $0x3;
	[smem:$0x7FF] =	sst s2;
	s6 =	smul.u32 $0x64000, s5  }
0x6: {  	s25 =	ssub.s32 $0x2, s1;
	_ =	strace $0x80000047;
	s5 =	smul.u32 $0xC800, s5  }
0x7: {  	s1 =	sshrl.u32 s25, $0x1;
	s7 =	sadd.s32 s3, s0;
	s3 =	sadd.s32 $0xF49400, s0  }
0x8: {  	s6 =	sshrl.u32 s6, $0x3;
	s0 =	ssub.s32 s25, s1;
	s5 =	sadd.s32 s4, s5  }
0x9: {  	s1 =	simm.s32 $0x2;
	s25 =	simm.s32 $0x0;
	s26 =	sadd.s32 $0xF43000, s7  }
0xa: {  	s29 =	sadd.s32 s4, s6;
	s0 =	smax.u32 s0, $0x1;
	s4 =	simm.s32 $0x4  }
0xb: {  	[dreg:$0x3] =	wrdreg s26;
	s6 =	sadd.s32 $0xA00, s29;
	s7 =	sadd.s32 $0x1400, s29  }
0xc: {  	s8 =	sadd.s32 $0x1E00, s29;
	s9 =	sadd.s32 $0x2800, s29;
	s10 =	sadd.s32 $0x3200, s29  }
0xd: {  	s11 =	sadd.s32 $0x3C00, s29;
	s12 =	sadd.s32 $0x4600, s29;
	s13 =	sadd.s32 $0x5000, s29  }
0xe: {  	s14 =	sadd.s32 $0x5A00, s29;
	s15 =	sadd.s32 $0x6400, s29;
	s16 =	sadd.s32 $0x6E00, s29  }
0xf: {  	s17 =	sadd.s32 $0x7800, s29;
	s18 =	sadd.s32 $0x8200, s29;
	s19 =	sadd.s32 $0x8C00, s29  }
0x10: {  	s20 =	sadd.s32 $0x9600, s29;
	s21 =	sadd.s32 $0xA000, s29;
	s22 =	sadd.s32 $0xAA00, s29  }
0x11: {  	s23 =	sadd.s32 $0xB400, s29;
	s24 =	sadd.s32 $0xBE00, s29;
	[dreg:$0x4] =	wrdreg s0  }
.LBB2_1:
0x12: {  	[dreg:$0x5] =	wrdreg s25  }
0x13: {  	s0 =	rddreg [dreg:$0x3];
	s26 =	simm.s32 $0x5  }
0x14: {  	[tilespmem:s2], [sflag:$0x5] =	stream.linear.gather [hbm4b:s0+s2], $0x1900, $0x38;
	[tilespmem:$0x15900] =	vst v63  }
0x15: {  	_ =	swait.ge [sflag:s26], $0x1900  }
0x16: {  	[sflag:s26] =	ssyncset.done $0x0  }
0x17: {  	s25 =	simm.s32 $0x1900;
	[sflag:s26] =	ssyncadd.s32 $0xFFFFE700  }
0x18: {  	[tilespmem:s25], [sflag:$0x1] =	stream.indirect.gather [hbm4b:s3+s28], $0x80, s2, s28, $0xb8;
	[tilespmem:$0x15900] =	vst v63  }
0x19: {  	s26 =	simm.s32 $0xB900  }
0x1a: {  	[tilespmem:s26], [sflag:$0x2] =	stream.indirect.gather [hbm4b:s3+s28], $0x80, s28, s28, $0xb8;
	[tilespmem:$0x15900] =	vst v63  }
0x1b: {  	_ =	swait.ge [sflag:s30], $0xA000  }
0x1c: {  	s29 =	simm.s32 $0x1980;
	s0 =	simm.s32 $0x1900;
	[sflag:s30] =	ssyncset.done $0x0  }
0x1d: {  	s25 =	sadd.s32 $0x0, s5;
	s26 =	simm.s32 $0x8;
	[sflag:s30] =	ssyncadd.s32 $0xFFFF6000  }
.LBB2_2:
0x1e: {  	[hbm4b:s25+s2] =	stream.linear.scatter [tilespmem:s0], [sflag:$0x3], $0x40, $0x38;
	[tilespmem:$0x15900] =	vst v63  }
0x1f: {  	s25 =	smov.u32 s26;
	s0 =	smov.u32 s29;
	p0 =	sne.s32 s26, $0x9F8  }
.Ltmp0:
0x20: {  	s26 =	sadd.s32 $0x8, s26;
	(pc) =	sbr.rel @p0 .LBB2_2-.Ltmp0, $2  }
0x21: {  	_ =	sdelay $0x2  }
0x22: {  	s29 =	sadd.s32 $0x80, s29;
	s25 =	sadd.s32 s25, s5  }
0x23: {  	[hbm4b:s25+s2] =	stream.linear.scatter [tilespmem:s0], [sflag:$0x3], $0x40, $0x38;
	[tilespmem:$0x15900] =	vst v63  }
0x24: {  	_ =	swait.ge [sflag:s31], $0x5000  }
0x25: {  	[sflag:s31] =	ssyncset.done $0x0  }
0x26: {  	s25 =	simm.s32 $0x280;
	s26 =	simm.s32 $0x1900;
	[sflag:s31] =	ssyncadd.s32 $0xFFFFB000  }
0x27: {  	[tilespmem:s26], [sflag:$0x1] =	stream.indirect.gather [hbm4b:s3+s28], $0x80, s25, s28, $0xb8;
	[tilespmem:$0x15900] =	vst v63  }
0x28: {  	_ =	swait.ge [sflag:s1], $0xA000  }
0x29: {  	s29 =	simm.s32 $0x8;
	s0 =	simm.s32 $0xB980;
	[sflag:s1] =	ssyncset.done $0x0  }
0x2a: {  	s26 =	simm.s32 $0xB900;
	s25 =	sadd.s32 $0x0, s6;
	[sflag:s1] =	ssyncadd.s32 $0xFFFF6000  }
.LBB2_4:
0x2b: {  	[hbm4b:s25+s2] =	stream.linear.scatter [tilespmem:s26], [sflag:$0x4], $0x40, $0x38;
	[tilespmem:$0x15900] =	vst v63  }
0x2c: {  	s25 =	smov.u32 s29;
	s26 =	smov.u32 s0;
	p0 =	sne.s32 s29, $0x9F8  }
.Ltmp1:
0x2d: {  	s29 =	sadd.s32 $0x8, s29;
	(pc) =	sbr.rel @p0 .LBB2_4-.Ltmp1, $2  }
0x2e: {  	_ =	sdelay $0x2  }
0x2f: {  	s0 =	sadd.s32 $0x80, s0;
	s25 =	sadd.s32 s25, s6  }
0x30: {  	[hbm4b:s25+s2] =	stream.linear.scatter [tilespmem:s26], [sflag:$0x4], $0x40, $0x38;
	[tilespmem:$0x15900] =	vst v63  }
0x31: {  	_ =	swait.ge [sflag:s4], $0x5000  }
0x32: {  	[sflag:s4] =	ssyncset.done $0x0  }
0x33: {  	s0 =	simm.s32 $0xB900;
	s26 =	simm.s32 $0x3C0;
	[sflag:s4] =	ssyncadd.s32 $0xFFFFB000  }
0x34: {  	[tilespmem:s0], [sflag:$0x2] =	stream.indirect.gather [hbm4b:s3+s28], $0x80, s26, s28, $0xb8;
	[tilespmem:$0x15900] =	vst v63  }
0x35: {  	_ =	swait.ge [sflag:s30], $0xA000  }
0x36: {  	s29 =	simm.s32 $0x8;
	s25 =	sadd.s32 $0x0, s7;
	[sflag:s30] =	ssyncset.done $0x0  }
0x37: {  	s26 =	simm.s32 $0x1900;
	s0 =	simm.s32 $0x1980;
	[sflag:s30] =	ssyncadd.s32 $0xFFFF6000  }
.LBB2_6:
0x38: {  	[hbm4b:s25+s2] =	stream.linear.scatter [tilespmem:s26], [sflag:$0x3], $0x40, $0x38;
	[tilespmem:$0x15900] =	vst v63  }
0x39: {  	s25 =	smov.u32 s29;
	s26 =	smov.u32 s0;
	p0 =	sne.s32 s29, $0x9F8  }
.Ltmp2:
0x3a: {  	s29 =	sadd.s32 $0x8, s29;
	(pc) =	sbr.rel @p0 .LBB2_6-.Ltmp2, $2  }
0x3b: {  	_ =	sdelay $0x2  }
0x3c: {  	s0 =	sadd.s32 $0x80, s0;
	s25 =	sadd.s32 s25, s7  }
0x3d: {  	[hbm4b:s25+s2] =	stream.linear.scatter [tilespmem:s26], [sflag:$0x3], $0x40, $0x38;
	[tilespmem:$0x15900] =	vst v63  }
0x3e: {  	_ =	swait.ge [sflag:s31], $0x5000  }
0x3f: {  	[sflag:s31] =	ssyncset.done $0x0  }
0x40: {  	s0 =	simm.s32 $0x1900;
	s26 =	simm.s32 $0x500;
	[sflag:s31] =	ssyncadd.s32 $0xFFFFB000  }
0x41: {  	[tilespmem:s0], [sflag:$0x1] =	stream.indirect.gather [hbm4b:s3+s28], $0x80, s26, s28, $0xb8;
	[tilespmem:$0x15900] =	vst v63  }
0x42: {  	_ =	swait.ge [sflag:s1], $0xA000  }
0x43: {  	s29 =	simm.s32 $0x8;
	s25 =	sadd.s32 $0x0, s8;
	[sflag:s1] =	ssyncset.done $0x0  }
0x44: {  	s26 =	simm.s32 $0xB900;
	s0 =	simm.s32 $0xB980;
	[sflag:s1] =	ssyncadd.s32 $0xFFFF6000  }
.LBB2_8:
0x45: {  	[hbm4b:s25+s2] =	stream.linear.scatter [tilespmem:s26], [sflag:$0x4], $0x40, $0x38;
	[tilespmem:$0x15900] =	vst v63  }
0x46: {  	s25 =	smov.u32 s29;
	s26 =	smov.u32 s0;
	p0 =	sne.s32 s29, $0x9F8  }
.Ltmp3:
0x47: {  	s29 =	sadd.s32 $0x8, s29;
	(pc) =	sbr.rel @p0 .LBB2_8-.Ltmp3, $2  }
0x48: {  	_ =	sdelay $0x2  }
0x49: {  	s0 =	sadd.s32 $0x80, s0;
	s25 =	sadd.s32 s25, s8  }
0x4a: {  	[hbm4b:s25+s2] =	stream.linear.scatter [tilespmem:s26], [sflag:$0x4], $0x40, $0x38;
	[tilespmem:$0x15900] =	vst v63  }
0x4b: {  	_ =	swait.ge [sflag:s4], $0x5000  }
0x4c: {  	[sflag:s4] =	ssyncset.done $0x0  }
0x4d: {  	s0 =	simm.s32 $0xB900;
	s26 =	simm.s32 $0x640;
	[sflag:s4] =	ssyncadd.s32 $0xFFFFB000  }
0x4e: {  	[tilespmem:s0], [sflag:$0x2] =	stream.indirect.gather [hbm4b:s3+s28], $0x80, s26, s28, $0xb8;
	[tilespmem:$0x15900] =	vst v63  }
0x4f: {  	_ =	swait.ge [sflag:s30], $0xA000  }
0x50: {  	s29 =	simm.s32 $0x8;
	s25 =	sadd.s32 $0x0, s9;
	[sflag:s30] =	ssyncset.done $0x0  }
0x51: {  	s26 =	simm.s32 $0x1900;
	s0 =	simm.s32 $0x1980;
	[sflag:s30] =	ssyncadd.s32 $0xFFFF6000  }
.LBB2_10:
0x52: {  	[hbm4b:s25+s2] =	stream.linear.scatter [tilespmem:s26], [sflag:$0x3], $0x40, $0x38;
	[tilespmem:$0x15900] =	vst v63  }
0x53: {  	s25 =	smov.u32 s29;
	s26 =	smov.u32 s0;
	p0 =	sne.s32 s29, $0x9F8  }
.Ltmp4:
0x54: {  	s29 =	sadd.s32 $0x8, s29;
	(pc) =	sbr.rel @p0 .LBB2_10-.Ltmp4, $2  }
0x55: {  	_ =	sdelay $0x2  }
0x56: {  	s0 =	sadd.s32 $0x80, s0;
	s25 =	sadd.s32 s25, s9  }
0x57: {  	[hbm4b:s25+s2] =	stream.linear.scatter [tilespmem:s26], [sflag:$0x3], $0x40, $0x38;
	[tilespmem:$0x15900] =	vst v63  }
0x58: {  	_ =	swait.ge [sflag:s31], $0x5000  }
0x59: {  	[sflag:s31] =	ssyncset.done $0x0  }
0x5a: {  	s0 =	simm.s32 $0x1900;
	s26 =	simm.s32 $0x780;
	[sflag:s31] =	ssyncadd.s32 $0xFFFFB000  }
0x5b: {  	[tilespmem:s0], [sflag:$0x1] =	stream.indirect.gather [hbm4b:s3+s28], $0x80, s26, s28, $0xb8;
	[tilespmem:$0x15900] =	vst v63  }
0x5c: {  	_ =	swait.ge [sflag:s1], $0xA000  }
0x5d: {  	s29 =	simm.s32 $0x8;
	s25 =	sadd.s32 $0x0, s10;
	[sflag:s1] =	ssyncset.done $0x0  }
0x5e: {  	s26 =	simm.s32 $0xB900;
	s0 =	simm.s32 $0xB980;
	[sflag:s1] =	ssyncadd.s32 $0xFFFF6000  }
.LBB2_12:
0x5f: {  	[hbm4b:s25+s2] =	stream.linear.scatter [tilespmem:s26], [sflag:$0x4], $0x40, $0x38;
	[tilespmem:$0x15900] =	vst v63  }
0x60: {  	s25 =	smov.u32 s29;
	s26 =	smov.u32 s0;
	p0 =	sne.s32 s29, $0x9F8  }
.Ltmp5:
0x61: {  	s29 =	sadd.s32 $0x8, s29;
	(pc) =	sbr.rel @p0 .LBB2_12-.Ltmp5, $2  }
0x62: {  	_ =	sdelay $0x2  }
0x63: {  	s0 =	sadd.s32 $0x80, s0;
	s25 =	sadd.s32 s25, s10  }
0x64: {  	[hbm4b:s25+s2] =	stream.linear.scatter [tilespmem:s26], [sflag:$0x4], $0x40, $0x38;
	[tilespmem:$0x15900] =	vst v63  }
0x65: {  	_ =	swait.ge [sflag:s4], $0x5000  }
0x66: {  	[sflag:s4] =	ssyncset.done $0x0  }
0x67: {  	s0 =	simm.s32 $0xB900;
	s26 =	simm.s32 $0x8C0;
	[sflag:s4] =	ssyncadd.s32 $0xFFFFB000  }
0x68: {  	[tilespmem:s0], [sflag:$0x2] =	stream.indirect.gather [hbm4b:s3+s28], $0x80, s26, s28, $0xb8;
	[tilespmem:$0x15900] =	vst v63  }
0x69: {  	_ =	swait.ge [sflag:s30], $0xA000  }
0x6a: {  	s29 =	simm.s32 $0x8;
	s25 =	sadd.s32 $0x0, s11;
	[sflag:s30] =	ssyncset.done $0x0  }
0x6b: {  	s26 =	simm.s32 $0x1900;
	s0 =	simm.s32 $0x1980;
	[sflag:s30] =	ssyncadd.s32 $0xFFFF6000  }
.LBB2_14:
0x6c: {  	[hbm4b:s25+s2] =	stream.linear.scatter [tilespmem:s26], [sflag:$0x3], $0x40, $0x38;
	[tilespmem:$0x15900] =	vst v63  }
0x6d: {  	s25 =	smov.u32 s29;
	s26 =	smov.u32 s0;
	p0 =	sne.s32 s29, $0x9F8  }
.Ltmp6:
0x6e: {  	s29 =	sadd.s32 $0x8, s29;
	(pc) =	sbr.rel @p0 .LBB2_14-.Ltmp6, $2  }
0x6f: {  	_ =	sdelay $0x2  }
0x70: {  	s0 =	sadd.s32 $0x80, s0;
	s25 =	sadd.s32 s25, s11  }
0x71: {  	[hbm4b:s25+s2] =	stream.linear.scatter [tilespmem:s26], [sflag:$0x3], $0x40, $0x38;
	[tilespmem:$0x15900] =	vst v63  }
0x72: {  	_ =	swait.ge [sflag:s31], $0x5000  }
0x73: {  	[sflag:s31] =	ssyncset.done $0x0  }
0x74: {  	s0 =	simm.s32 $0x1900;
	s26 =	simm.s32 $0xA00;
	[sflag:s31] =	ssyncadd.s32 $0xFFFFB000  }
0x75: {  	[tilespmem:s0], [sflag:$0x1] =	stream.indirect.gather [hbm4b:s3+s28], $0x80, s26, s28, $0xb8;
	[tilespmem:$0x15900] =	vst v63  }
0x76: {  	_ =	swait.ge [sflag:s1], $0xA000  }
0x77: {  	s29 =	simm.s32 $0x8;
	s25 =	sadd.s32 $0x0, s12;
	[sflag:s1] =	ssyncset.done $0x0  }
0x78: {  	s26 =	simm.s32 $0xB900;
	s0 =	simm.s32 $0xB980;
	[sflag:s1] =	ssyncadd.s32 $0xFFFF6000  }
.LBB2_16:
0x79: {  	[hbm4b:s25+s2] =	stream.linear.scatter [tilespmem:s26], [sflag:$0x4], $0x40, $0x38;
	[tilespmem:$0x15900] =	vst v63  }
0x7a: {  	s25 =	smov.u32 s29;
	s26 =	smov.u32 s0;
	p0 =	sne.s32 s29, $0x9F8  }
.Ltmp7:
0x7b: {  	s29 =	sadd.s32 $0x8, s29;
	(pc) =	sbr.rel @p0 .LBB2_16-.Ltmp7, $2  }
0x7c: {  	_ =	sdelay $0x2  }
0x7d: {  	s0 =	sadd.s32 $0x80, s0;
	s25 =	sadd.s32 s25, s12  }
0x7e: {  	[hbm4b:s25+s2] =	stream.linear.scatter [tilespmem:s26], [sflag:$0x4], $0x40, $0x38;
	[tilespmem:$0x15900] =	vst v63  }
0x7f: {  	_ =	swait.ge [sflag:s4], $0x5000  }
0x80: {  	[sflag:s4] =	ssyncset.done $0x0  }
0x81: {  	s0 =	simm.s32 $0xB900;
	s26 =	simm.s32 $0xB40;
	[sflag:s4] =	ssyncadd.s32 $0xFFFFB000  }
0x82: {  	[tilespmem:s0], [sflag:$0x2] =	stream.indirect.gather [hbm4b:s3+s28], $0x80, s26, s28, $0xb8;
	[tilespmem:$0x15900] =	vst v63  }
0x83: {  	_ =	swait.ge [sflag:s30], $0xA000  }
0x84: {  	s29 =	simm.s32 $0x8;
	s25 =	sadd.s32 $0x0, s13;
	[sflag:s30] =	ssyncset.done $0x0  }
0x85: {  	s26 =	simm.s32 $0x1900;
	s0 =	simm.s32 $0x1980;
	[sflag:s30] =	ssyncadd.s32 $0xFFFF6000  }
.LBB2_18:
0x86: {  	[hbm4b:s25+s2] =	stream.linear.scatter [tilespmem:s26], [sflag:$0x3], $0x40, $0x38;
	[tilespmem:$0x15900] =	vst v63  }
0x87: {  	s25 =	smov.u32 s29;
	s26 =	smov.u32 s0;
	p0 =	sne.s32 s29, $0x9F8  }
.Ltmp8:
0x88: {  	s29 =	sadd.s32 $0x8, s29;
	(pc) =	sbr.rel @p0 .LBB2_18-.Ltmp8, $2  }
0x89: {  	_ =	sdelay $0x2  }
0x8a: {  	s0 =	sadd.s32 $0x80, s0;
	s25 =	sadd.s32 s25, s13  }
0x8b: {  	[hbm4b:s25+s2] =	stream.linear.scatter [tilespmem:s26], [sflag:$0x3], $0x40, $0x38;
	[tilespmem:$0x15900] =	vst v63  }
0x8c: {  	_ =	swait.ge [sflag:s31], $0x5000  }
0x8d: {  	[sflag:s31] =	ssyncset.done $0x0  }
0x8e: {  	s0 =	simm.s32 $0x1900;
	s26 =	simm.s32 $0xC80;
	[sflag:s31] =	ssyncadd.s32 $0xFFFFB000  }
0x8f: {  	[tilespmem:s0], [sflag:$0x1] =	stream.indirect.gather [hbm4b:s3+s28], $0x80, s26, s28, $0xb8;
	[tilespmem:$0x15900] =	vst v63  }
0x90: {  	_ =	swait.ge [sflag:s1], $0xA000  }
0x91: {  	s29 =	simm.s32 $0x8;
	s25 =	sadd.s32 $0x0, s14;
	[sflag:s1] =	ssyncset.done $0x0  }
0x92: {  	s26 =	simm.s32 $0xB900;
	s0 =	simm.s32 $0xB980;
	[sflag:s1] =	ssyncadd.s32 $0xFFFF6000  }
.LBB2_20:
0x93: {  	[hbm4b:s25+s2] =	stream.linear.scatter [tilespmem:s26], [sflag:$0x4], $0x40, $0x38;
	[tilespmem:$0x15900] =	vst v63  }
0x94: {  	s25 =	smov.u32 s29;
	s26 =	smov.u32 s0;
	p0 =	sne.s32 s29, $0x9F8  }
.Ltmp9:
0x95: {  	s29 =	sadd.s32 $0x8, s29;
	(pc) =	sbr.rel @p0 .LBB2_20-.Ltmp9, $2  }
0x96: {  	_ =	sdelay $0x2  }
0x97: {  	s0 =	sadd.s32 $0x80, s0;
	s25 =	sadd.s32 s25, s14  }
0x98: {  	[hbm4b:s25+s2] =	stream.linear.scatter [tilespmem:s26], [sflag:$0x4], $0x40, $0x38;
	[tilespmem:$0x15900] =	vst v63  }
0x99: {  	_ =	swait.ge [sflag:s4], $0x5000  }
0x9a: {  	[sflag:s4] =	ssyncset.done $0x0  }
0x9b: {  	s0 =	simm.s32 $0xB900;
	s26 =	simm.s32 $0xDC0;
	[sflag:s4] =	ssyncadd.s32 $0xFFFFB000  }
0x9c: {  	[tilespmem:s0], [sflag:$0x2] =	stream.indirect.gather [hbm4b:s3+s28], $0x80, s26, s28, $0xb8;
	[tilespmem:$0x15900] =	vst v63  }
0x9d: {  	_ =	swait.ge [sflag:s30], $0xA000  }
0x9e: {  	s29 =	simm.s32 $0x8;
	s25 =	sadd.s32 $0x0, s15;
	[sflag:s30] =	ssyncset.done $0x0  }
0x9f: {  	s26 =	simm.s32 $0x1900;
	s0 =	simm.s32 $0x1980;
	[sflag:s30] =	ssyncadd.s32 $0xFFFF6000  }
.LBB2_22:
0xa0: {  	[hbm4b:s25+s2] =	stream.linear.scatter [tilespmem:s26], [sflag:$0x3], $0x40, $0x38;
	[tilespmem:$0x15900] =	vst v63  }
0xa1: {  	s25 =	smov.u32 s29;
	s26 =	smov.u32 s0;
	p0 =	sne.s32 s29, $0x9F8  }
.Ltmp10:
0xa2: {  	s29 =	sadd.s32 $0x8, s29;
	(pc) =	sbr.rel @p0 .LBB2_22-.Ltmp10, $2  }
0xa3: {  	_ =	sdelay $0x2  }
0xa4: {  	s0 =	sadd.s32 $0x80, s0;
	s25 =	sadd.s32 s25, s15  }
0xa5: {  	[hbm4b:s25+s2] =	stream.linear.scatter [tilespmem:s26], [sflag:$0x3], $0x40, $0x38;
	[tilespmem:$0x15900] =	vst v63  }
0xa6: {  	_ =	swait.ge [sflag:s31], $0x5000  }
0xa7: {  	[sflag:s31] =	ssyncset.done $0x0  }
0xa8: {  	s0 =	simm.s32 $0x1900;
	s26 =	simm.s32 $0xF00;
	[sflag:s31] =	ssyncadd.s32 $0xFFFFB000  }
0xa9: {  	[tilespmem:s0], [sflag:$0x1] =	stream.indirect.gather [hbm4b:s3+s28], $0x80, s26, s28, $0xb8;
	[tilespmem:$0x15900] =	vst v63  }
0xaa: {  	_ =	swait.ge [sflag:s1], $0xA000  }
0xab: {  	s29 =	simm.s32 $0x8;
	s25 =	sadd.s32 $0x0, s16;
	[sflag:s1] =	ssyncset.done $0x0  }
0xac: {  	s26 =	simm.s32 $0xB900;
	s0 =	simm.s32 $0xB980;
	[sflag:s1] =	ssyncadd.s32 $0xFFFF6000  }
.LBB2_24:
0xad: {  	[hbm4b:s25+s2] =	stream.linear.scatter [tilespmem:s26], [sflag:$0x4], $0x40, $0x38;
	[tilespmem:$0x15900] =	vst v63  }
0xae: {  	s25 =	smov.u32 s29;
	s26 =	smov.u32 s0;
	p0 =	sne.s32 s29, $0x9F8  }
.Ltmp11:
0xaf: {  	s29 =	sadd.s32 $0x8, s29;
	(pc) =	sbr.rel @p0 .LBB2_24-.Ltmp11, $2  }
0xb0: {  	_ =	sdelay $0x2  }
0xb1: {  	s0 =	sadd.s32 $0x80, s0;
	s25 =	sadd.s32 s25, s16  }
0xb2: {  	[hbm4b:s25+s2] =	stream.linear.scatter [tilespmem:s26], [sflag:$0x4], $0x40, $0x38;
	[tilespmem:$0x15900] =	vst v63  }
0xb3: {  	_ =	swait.ge [sflag:s4], $0x5000  }
0xb4: {  	[sflag:s4] =	ssyncset.done $0x0  }
0xb5: {  	s0 =	simm.s32 $0xB900;
	s26 =	simm.s32 $0x1040;
	[sflag:s4] =	ssyncadd.s32 $0xFFFFB000  }
0xb6: {  	[tilespmem:s0], [sflag:$0x2] =	stream.indirect.gather [hbm4b:s3+s28], $0x80, s26, s28, $0xb8;
	[tilespmem:$0x15900] =	vst v63  }
0xb7: {  	_ =	swait.ge [sflag:s30], $0xA000  }
0xb8: {  	s29 =	simm.s32 $0x8;
	s25 =	sadd.s32 $0x0, s17;
	[sflag:s30] =	ssyncset.done $0x0  }
0xb9: {  	s26 =	simm.s32 $0x1900;
	s0 =	simm.s32 $0x1980;
	[sflag:s30] =	ssyncadd.s32 $0xFFFF6000  }
.LBB2_26:
0xba: {  	[hbm4b:s25+s2] =	stream.linear.scatter [tilespmem:s26], [sflag:$0x3], $0x40, $0x38;
	[tilespmem:$0x15900] =	vst v63  }
0xbb: {  	s25 =	smov.u32 s29;
	s26 =	smov.u32 s0;
	p0 =	sne.s32 s29, $0x9F8  }
.Ltmp12:
0xbc: {  	s29 =	sadd.s32 $0x8, s29;
	(pc) =	sbr.rel @p0 .LBB2_26-.Ltmp12, $2  }
0xbd: {  	_ =	sdelay $0x2  }
0xbe: {  	s0 =	sadd.s32 $0x80, s0;
	s25 =	sadd.s32 s25, s17  }
0xbf: {  	[hbm4b:s25+s2] =	stream.linear.scatter [tilespmem:s26], [sflag:$0x3], $0x40, $0x38;
	[tilespmem:$0x15900] =	vst v63  }
0xc0: {  	_ =	swait.ge [sflag:s31], $0x5000  }
0xc1: {  	[sflag:s31] =	ssyncset.done $0x0  }
0xc2: {  	s0 =	simm.s32 $0x1900;
	s26 =	simm.s32 $0x1180;
	[sflag:s31] =	ssyncadd.s32 $0xFFFFB000  }
0xc3: {  	[tilespmem:s0], [sflag:$0x1] =	stream.indirect.gather [hbm4b:s3+s28], $0x80, s26, s28, $0xb8;
	[tilespmem:$0x15900] =	vst v63  }
0xc4: {  	_ =	swait.ge [sflag:s1], $0xA000  }
0xc5: {  	s29 =	simm.s32 $0x8;
	s25 =	sadd.s32 $0x0, s18;
	[sflag:s1] =	ssyncset.done $0x0  }
0xc6: {  	s26 =	simm.s32 $0xB900;
	s0 =	simm.s32 $0xB980;
	[sflag:s1] =	ssyncadd.s32 $0xFFFF6000  }
.LBB2_28:
0xc7: {  	[hbm4b:s25+s2] =	stream.linear.scatter [tilespmem:s26], [sflag:$0x4], $0x40, $0x38;
	[tilespmem:$0x15900] =	vst v63  }
0xc8: {  	s25 =	smov.u32 s29;
	s26 =	smov.u32 s0;
	p0 =	sne.s32 s29, $0x9F8  }
.Ltmp13:
0xc9: {  	s29 =	sadd.s32 $0x8, s29;
	(pc) =	sbr.rel @p0 .LBB2_28-.Ltmp13, $2  }
0xca: {  	_ =	sdelay $0x2  }
0xcb: {  	s0 =	sadd.s32 $0x80, s0;
	s25 =	sadd.s32 s25, s18  }
0xcc: {  	[hbm4b:s25+s2] =	stream.linear.scatter [tilespmem:s26], [sflag:$0x4], $0x40, $0x38;
	[tilespmem:$0x15900] =	vst v63  }
0xcd: {  	_ =	swait.ge [sflag:s4], $0x5000  }
0xce: {  	[sflag:s4] =	ssyncset.done $0x0  }
0xcf: {  	s0 =	simm.s32 $0xB900;
	s26 =	simm.s32 $0x12C0;
	[sflag:s4] =	ssyncadd.s32 $0xFFFFB000  }
0xd0: {  	[tilespmem:s0], [sflag:$0x2] =	stream.indirect.gather [hbm4b:s3+s28], $0x80, s26, s28, $0xb8;
	[tilespmem:$0x15900] =	vst v63  }
0xd1: {  	_ =	swait.ge [sflag:s30], $0xA000  }
0xd2: {  	s29 =	simm.s32 $0x8;
	s25 =	sadd.s32 $0x0, s19;
	[sflag:s30] =	ssyncset.done $0x0  }
0xd3: {  	s26 =	simm.s32 $0x1900;
	s0 =	simm.s32 $0x1980;
	[sflag:s30] =	ssyncadd.s32 $0xFFFF6000  }
.LBB2_30:
0xd4: {  	[hbm4b:s25+s2] =	stream.linear.scatter [tilespmem:s26], [sflag:$0x3], $0x40, $0x38;
	[tilespmem:$0x15900] =	vst v63  }
0xd5: {  	s25 =	smov.u32 s29;
	s26 =	smov.u32 s0;
	p0 =	sne.s32 s29, $0x9F8  }
.Ltmp14:
0xd6: {  	s29 =	sadd.s32 $0x8, s29;
	(pc) =	sbr.rel @p0 .LBB2_30-.Ltmp14, $2  }
0xd7: {  	_ =	sdelay $0x2  }
0xd8: {  	s0 =	sadd.s32 $0x80, s0;
	s25 =	sadd.s32 s25, s19  }
0xd9: {  	[hbm4b:s25+s2] =	stream.linear.scatter [tilespmem:s26], [sflag:$0x3], $0x40, $0x38;
	[tilespmem:$0x15900] =	vst v63  }
0xda: {  	_ =	swait.ge [sflag:s31], $0x5000  }
0xdb: {  	[sflag:s31] =	ssyncset.done $0x0  }
0xdc: {  	s0 =	simm.s32 $0x1900;
	s26 =	simm.s32 $0x1400;
	[sflag:s31] =	ssyncadd.s32 $0xFFFFB000  }
0xdd: {  	[tilespmem:s0], [sflag:$0x1] =	stream.indirect.gather [hbm4b:s3+s28], $0x80, s26, s28, $0xb8;
	[tilespmem:$0x15900] =	vst v63  }
0xde: {  	_ =	swait.ge [sflag:s1], $0xA000  }
0xdf: {  	s29 =	simm.s32 $0x8;
	s25 =	sadd.s32 $0x0, s20;
	[sflag:s1] =	ssyncset.done $0x0  }
0xe0: {  	s26 =	simm.s32 $0xB900;
	s0 =	simm.s32 $0xB980;
	[sflag:s1] =	ssyncadd.s32 $0xFFFF6000  }
.LBB2_32:
0xe1: {  	[hbm4b:s25+s2] =	stream.linear.scatter [tilespmem:s26], [sflag:$0x4], $0x40, $0x38;
	[tilespmem:$0x15900] =	vst v63  }
0xe2: {  	s25 =	smov.u32 s29;
	s26 =	smov.u32 s0;
	p0 =	sne.s32 s29, $0x9F8  }
.Ltmp15:
0xe3: {  	s29 =	sadd.s32 $0x8, s29;
	(pc) =	sbr.rel @p0 .LBB2_32-.Ltmp15, $2  }
0xe4: {  	_ =	sdelay $0x2  }
0xe5: {  	s0 =	sadd.s32 $0x80, s0;
	s25 =	sadd.s32 s25, s20  }
0xe6: {  	[hbm4b:s25+s2] =	stream.linear.scatter [tilespmem:s26], [sflag:$0x4], $0x40, $0x38;
	[tilespmem:$0x15900] =	vst v63  }
0xe7: {  	_ =	swait.ge [sflag:s4], $0x5000  }
0xe8: {  	[sflag:s4] =	ssyncset.done $0x0  }
0xe9: {  	s0 =	simm.s32 $0xB900;
	s26 =	simm.s32 $0x1540;
	[sflag:s4] =	ssyncadd.s32 $0xFFFFB000  }
0xea: {  	[tilespmem:s0], [sflag:$0x2] =	stream.indirect.gather [hbm4b:s3+s28], $0x80, s26, s28, $0xb8;
	[tilespmem:$0x15900] =	vst v63  }
0xeb: {  	_ =	swait.ge [sflag:s30], $0xA000  }
0xec: {  	s29 =	simm.s32 $0x8;
	s25 =	sadd.s32 $0x0, s21;
	[sflag:s30] =	ssyncset.done $0x0  }
0xed: {  	s26 =	simm.s32 $0x1900;
	s0 =	simm.s32 $0x1980;
	[sflag:s30] =	ssyncadd.s32 $0xFFFF6000  }
.LBB2_34:
0xee: {  	[hbm4b:s25+s2] =	stream.linear.scatter [tilespmem:s26], [sflag:$0x3], $0x40, $0x38;
	[tilespmem:$0x15900] =	vst v63  }
0xef: {  	s25 =	smov.u32 s29;
	s26 =	smov.u32 s0;
	p0 =	sne.s32 s29, $0x9F8  }
.Ltmp16:
0xf0: {  	s29 =	sadd.s32 $0x8, s29;
	(pc) =	sbr.rel @p0 .LBB2_34-.Ltmp16, $2  }
0xf1: {  	_ =	sdelay $0x2  }
0xf2: {  	s0 =	sadd.s32 $0x80, s0;
	s25 =	sadd.s32 s25, s21  }
0xf3: {  	[hbm4b:s25+s2] =	stream.linear.scatter [tilespmem:s26], [sflag:$0x3], $0x40, $0x38;
	[tilespmem:$0x15900] =	vst v63  }
0xf4: {  	_ =	swait.ge [sflag:s31], $0x5000  }
0xf5: {  	[sflag:s31] =	ssyncset.done $0x0  }
0xf6: {  	s0 =	simm.s32 $0x1900;
	s26 =	simm.s32 $0x1680;
	[sflag:s31] =	ssyncadd.s32 $0xFFFFB000  }
0xf7: {  	[tilespmem:s0], [sflag:$0x1] =	stream.indirect.gather [hbm4b:s3+s28], $0x80, s26, s28, $0xb8;
	[tilespmem:$0x15900] =	vst v63  }
0xf8: {  	_ =	swait.ge [sflag:s1], $0xA000  }
0xf9: {  	s29 =	simm.s32 $0x8;
	s25 =	sadd.s32 $0x0, s22;
	[sflag:s1] =	ssyncset.done $0x0  }
0xfa: {  	s26 =	simm.s32 $0xB900;
	s0 =	simm.s32 $0xB980;
	[sflag:s1] =	ssyncadd.s32 $0xFFFF6000  }
.LBB2_36:
0xfb: {  	[hbm4b:s25+s2] =	stream.linear.scatter [tilespmem:s26], [sflag:$0x4], $0x40, $0x38;
	[tilespmem:$0x15900] =	vst v63  }
0xfc: {  	s25 =	smov.u32 s29;
	s26 =	smov.u32 s0;
	p0 =	sne.s32 s29, $0x9F8  }
.Ltmp17:
0xfd: {  	s29 =	sadd.s32 $0x8, s29;
	(pc) =	sbr.rel @p0 .LBB2_36-.Ltmp17, $2  }
0xfe: {  	_ =	sdelay $0x2  }
0xff: {  	s0 =	sadd.s32 $0x80, s0;
	s25 =	sadd.s32 s25, s22  }
0x100: {  	[hbm4b:s25+s2] =	stream.linear.scatter [tilespmem:s26], [sflag:$0x4], $0x40, $0x38;
	[tilespmem:$0x15900] =	vst v63  }
0x101: {  	_ =	swait.ge [sflag:s4], $0x5000  }
0x102: {  	[sflag:s4] =	ssyncset.done $0x0  }
0x103: {  	s0 =	simm.s32 $0xB900;
	s26 =	simm.s32 $0x17C0;
	[sflag:s4] =	ssyncadd.s32 $0xFFFFB000  }
0x104: {  	[tilespmem:s0], [sflag:$0x2] =	stream.indirect.gather [hbm4b:s3+s28], $0x80, s26, s28, $0xb8;
	[tilespmem:$0x15900] =	vst v63  }
0x105: {  	_ =	swait.ge [sflag:s30], $0xA000  }
0x106: {  	s29 =	simm.s32 $0x8;
	s25 =	sadd.s32 $0x0, s23;
	[sflag:s30] =	ssyncset.done $0x0  }
0x107: {  	s26 =	simm.s32 $0x1900;
	s0 =	simm.s32 $0x1980;
	[sflag:s30] =	ssyncadd.s32 $0xFFFF6000  }
.LBB2_38:
0x108: {  	[hbm4b:s25+s2] =	stream.linear.scatter [tilespmem:s26], [sflag:$0x3], $0x40, $0x38;
	[tilespmem:$0x15900] =	vst v63  }
0x109: {  	s25 =	smov.u32 s29;
	s26 =	smov.u32 s0;
	p0 =	sne.s32 s29, $0x9F8  }
.Ltmp18:
0x10a: {  	s29 =	sadd.s32 $0x8, s29;
	(pc) =	sbr.rel @p0 .LBB2_38-.Ltmp18, $2  }
0x10b: {  	_ =	sdelay $0x2  }
0x10c: {  	s0 =	sadd.s32 $0x80, s0;
	s25 =	sadd.s32 s25, s23  }
0x10d: {  	[hbm4b:s25+s2] =	stream.linear.scatter [tilespmem:s26], [sflag:$0x3], $0x40, $0x38;
	[tilespmem:$0x15900] =	vst v63  }
0x10e: {  	_ =	swait.ge [sflag:s1], $0xA000  }
0x10f: {  	s26 =	simm.s32 $0xB900;
	s29 =	simm.s32 $0x8;
	[sflag:s1] =	ssyncset.done $0x0  }
0x110: {  	s25 =	sadd.s32 $0x0, s24;
	s0 =	simm.s32 $0xB980;
	[sflag:s1] =	ssyncadd.s32 $0xFFFF6000  }
.LBB2_40:
0x111: {  	[hbm4b:s25+s2] =	stream.linear.scatter [tilespmem:s26], [sflag:$0x4], $0x40, $0x38;
	[tilespmem:$0x15900] =	vst v63  }
0x112: {  	s25 =	smov.u32 s29;
	s26 =	smov.u32 s0;
	p0 =	sne.s32 s29, $0x9F8  }
.Ltmp19:
0x113: {  	s29 =	sadd.s32 $0x8, s29;
	(pc) =	sbr.rel @p0 .LBB2_40-.Ltmp19, $2  }
0x114: {  	_ =	sdelay $0x2  }
0x115: {  	s0 =	sadd.s32 $0x80, s0;
	s25 =	sadd.s32 s25, s24  }
0x116: {  	[hbm4b:s25+s2] =	stream.linear.scatter [tilespmem:s26], [sflag:$0x4], $0x40, $0x38;
	[tilespmem:$0x15900] =	vst v63  }
0x117: {  	_ =	swait.ge [sflag:s31], $0x5000  }
0x118: {  	[sflag:s31] =	ssyncset.done $0x0  }
0x119: {  	[sflag:s31] =	ssyncadd.s32 $0xFFFFB000  }
0x11a: {  	_ =	swait.ge [sflag:s4], $0x5000  }
0x11b: {  	s29 =	rddreg [dreg:$0x5]  }
0x11c: {  	s0 =	rddreg [dreg:$0x4];
	s25 =	sadd.s32 $0x1, s29  }
0x11d: {  	p0 =	sne.s32 s25, s0  }
.Ltmp20:
0x11e: {  	_ = 	snop;
	(pc) =	sbr.rel @p0 .LBB2_1-.Ltmp20, $3  }
0x11f: {  	_ =	sdelay $0x1  }
0x120: {  	[sflag:s4] =	ssyncset.done $0x0  }
0x121: {  	[sflag:s4] =	ssyncadd.s32 $0xFFFFB000  }
0x122: {  	_ =	sfence.sel $0x180000  }
0x123: {  	[bflag:$0x0] =	sbarrier.arrive $0xFFFF  }
0x124: {  	_ =	strace $0x90000047  }
0x125: {  	s0 =	stileid.u32;
	[bflag:$0x2] =	sbarrier.arrive $0xFFFF  }
0x126: {  	p0 =	sne.s32 s0, $0x0;
	s0 =	rddreg [dreg:$0x2]  }
0x127: {  	s0 =	sadd.s32 @!p0 $0x100000, s0  }
0x128: {  	[sflag:s0] =	ssyncadd.tile.s32 @!p0 $0x1;
	_ =	shalt  }
.Lfunc_end2:
_tile_overlayer_lowered:
.L_overlay_start_2:
0x129: {  	(tag) =	ssettag $0x2  }
0x12a: {  	s0 =	rddreg [dreg:$0x0];
	s2 =	stileid.u32  }
0x12b: {  	s1 =	rddreg [dreg:$0x1];
	p0 =	sne.s32 s2, $0x0  }
0x12c: {  	s3 =	rddreg [dreg:$0x2];
	[bflag:$0x3] =	sbarrier.arrive $0xFFFF;
	s2 =	simm.s32 @!p0 $0x1C05  }
0x12d: {  	[timem:s3], [sflag:s2] =	dma.local @!p0 [hbm:s0], s1  }
0x12e: {  	s0 =	simm.s32 @!p0 $0x5  }
0x12f: {  	_ =	swait.ge @!p0 [sflag:s0], s1  }
0x130: {  	s1 =	ssub.s32 @!p0 $0x0, s1;
	[sflag:s0] =	ssyncset.done @!p0 $0x0  }
0x131: {  	[sflag:s0] =	ssyncadd.s32 @!p0 s1  }
0x132: {  	[bflag:$0x3] =	sbarrier.arrive $0xFFFF  }
0x133: {  	_ =	shalt  }

// kernel: sparse-core-data-format-call.cloned.1.call-start
scs
called_computation_lowered:
.L_overlay_start_0:
0x0: {  	s2 =	sld [smem:$0x3FD9]  }
0x1: {  	s3 =	sld [smem:$0x3FFE];
	_ =	sdelay $0x1  }
0x2: {  	s1 =	srdreg.scid  }
0x3: {  	s0 =	sand.u32 $0x1, s1  }
0x4: {  	s18 =	sshll.u32 s0, $0xA;
	s2 =	sadd.s32 s3, s2  }
0x5: {  	s2 =	sadd.s32 s2, s18  }
0x6: {  	[smem:$0x3FC6] =	sst s2  }
0x7: {  	_ = 	snop  }
0x8: {  	s2 =	sld [smem:$0x3FD0];
	(tm) =	ssettm $0x1  }
0x9: {  	s19 =	sld [smem:$0x3FFB];
	_ =	sdelay $0x3  }
0xa: {  	_ =	strace s19  }
0xb: {  	s3 =	sld [smem:$0x3FFC];
	_ =	sdelay $0x3  }
0xc: {  	_ =	strace s3  }
0xd: {  	s3 =	sld [smem:$0x3FFD];
	_ =	sdelay $0x3  }
0xe: {  	_ =	strace s3  }
0xf: {  	_ =	strace $0x8FFFFFFF  }
0x10: {  	s20 =	sld [smem:$0x3FDB];
	_ =	sdelay $0x1  }
0x11: {  	s4 =	simm.s32 $_scs_section_size  }
0x12: {  	s5 =	simm.s32 $_size__tile_overlayer_lowered;
	s6 =	simm.s32 $_tile_overlayer_lowered  }
0x13: {  	s23 =	simm.s32 $0x1BFF;
	s22 =	sshll.u32 s6, $0x1;
	s3 =	sadd.s32 s4, s20  }
0x14: {  	s7 =	simm.s32 $0x0;
	s21 =	sshll.u32 s5, $0x1;
	s5 =	sadd.s32 s22, s3  }
0x15: {  	[timem:s7], [sflag:s23] =	dma.local [hbm:s5], s21  }
0x16: {  	_ =	swait.ge [sflag:s23], s21  }
0x17: {  	s4 =	ssub.s32 $0x0, s21;
	[sflag:s23] =	ssyncset.done $0x0  }
0x18: {  	[sflag:s23] =	ssyncadd.s32 s4;
	_ =	sdelay $0x1  }
0x19: {  	s24 =	simm.s32 $0x1B8B  }
0x1a: {  	_ =	swait.ge [sflag:s24], $0x1  }
0x1b: {  	[sflag:s24] =	ssyncset.done $0x0  }
0x1c: {  	s26 =	simm.s32 $0x1B8E;
	s25 =	sld [smem:$0x3FFE];
	[sflag:s24] =	ssyncadd.s32 $0xFFFFFFFF  }
0x1d: {  	s27 =	simm.s32 $execute0_lowered;
	[smem:$0x3FD2] =	sst s26  }
0x1e: {  	s5 =	sshll.u32 s27, $0x1;
	_ =	strace $0x80000049;
	[dreg:$0x1] =	wrdreg $0xFFFFFFFF  }
0x1f: {  	s28 =	simm.s32 $_size_execute0_lowered;
	s3 =	sadd.s32 s3, s5;
	[dreg:$0x0] =	wrdreg $0x0  }
0x20: {  	s5 =	sshll.u32 s28, $0x1;
	[dreg:$0x2] =	wrdreg s3  }
0x21: {  	[dreg:$0x3] =	wrdreg s5  }
0x22: {  	[dreg:$0x4] =	wrdreg $0xC0  }
0x23: {  	_ =	task [dreg:s7], $0x5FFFF  }
0x24: {  	[dreg:$0x1] =	wrdreg $0xFFFFFFFF  }
0x25: {  	[dreg:$0x0] =	wrdreg $0x60  }
0x26: {  	[dreg:$0x2] =	wrdreg s25  }
0x27: {  	[dreg:$0x3] =	wrdreg s2  }
0x28: {  	[dreg:$0x4] =	wrdreg $0x9  }
0x29: {  	_ =	task.clear_ibuf [dreg:s7], $0x5FFFF;
	_ =	strace $0x90000049  }
0x2a: {  	s29 =	simm.s32 $0x9;
	_ =	strace $0x8000004B  }
0x2b: {  	_ =	swait.ge [sflag:s29], $0x1  }
0x2c: {  	[sflag:s29] =	ssyncadd.s32 $0xFFFFFFFF  }
0x2d: {  	_ =	strace $0x9000004B  }
0x2e: {  	_ =	sfence  }
0x2f: {  	s30 =	sld [smem:$0x0];
	_ =	sdelay $0x2  }
0x30: {  	s31 =	sshll.u32 s1, $0xD;
	s1 =	sshrl.u32 s1, $0x2  }
0x31: {  	s3 =	sand.u32 $0x4000, s31;
	s1 =	sadd.s32 s1, s30  }
0x32: {  	s0 =	sor.u32 s3, s0;
	s1 =	sshll.u32 s1, $0x11  }
0x33: {  	s0 =	sor.u32 s1, s0  }
0x34: {  	s0 =	sadd.s32 $0x8F2B, s0  }
0x35: {  	[sflag:s0] =	ssyncadd.remote.s32 $0x1  }
0x36: {  	_ =	sfence.sel $0xFFFF  }
0x37: {  	[dreg:$0x0] =	wrdreg $0xFFFFFFFF;
	(pc) =	sbr.abs _section_cstart, $3  }
0x38: {  	[dreg:$0x1] =	wrdreg $0xFFFFFFFF  }
0x39: {  	_ =	task.clear_ibuf [dreg:s7], $0x2FFFF;
	_ =	strace $0x9FFFFFFF  }
0x3a: {  	(tm) =	ssettm $0x7FFFFFFF  }
0x3b: {  	_ =	shalt  }
tec
execute0_lowered:
.L_overlay_start_1:
0x0: {  	(tag) =	ssettag $0x1  }
0x1: {  	s0 =	srdreg.scid  }
0x2: {  	s1 =	sshll.u32 s0, $0x4  }
0x3: {  	s0 =	stileid.u32;
	s1 =	sand.u32 $0x10, s1  }
0x4: {  	s1 =	sor.u32 s0, s1  }
0x5: {  	s6 =	rddreg [dreg:$0x0];
	s4 =	simm.s32 $0x1;
	s2 =	sshll.u32 s1, $0x7  }
0x6: {  	s7 =	simm.s32 $0x2;
	s12 =	simm.s32 $0x0;
	s1 =	ssub.s32 $0x1000, s2  }
0x7: {  	s8 =	simm.s32 $0x8000;
	s13 =	simm.s32 $0x0;
	s3 =	sand.u32 $0xF80, s1  }
0x8: {  	s9 =	simm.s32 $0x0;
	s5 =	sshrl.u32 s1, $0xC;
	p0 =	sne.s32 s3, $0x0  }
.Ltmp0:
0x9: {  	s1 =	rddreg [dreg:$0x2];
	s4 =	simm.s32 @!p0 $0x0;
	(pc) =	sbr.rel .LBB1_1-.Ltmp0, $4  }
0xa: {  	s11 =	simm.s32 $0x0;
	s3 =	rddreg [dreg:$0x1];
	s5 =	sadd.s32 s4, s5  }
0xb: {  	_ =	strace $0x8000004A;
	s4 =	simm.s32 $0x1;
	s5 =	smul.u32 $0x32, s5  }
0xc: {  	s6 =	sadd.s32 $0xA00, s6;
	s10 =	smov.u32 s2;
	[sflag:s4] =	ssyncpa.u1 $0x0  }
0xd: {  	p0 =	por $0x0, $0x0;
	[sflag:s7] =	ssyncpa.u1 $0x0;
	s7 =	sor.u32 $0x1, s5  }
.LBB1_4:
0xe: {  	s16 =	sshll.u32 s13, $0x3;
	s17 =	sand.u32 $0x78, s13  }
0xf: {  	s30 =	sand.u32 $0x7E00, s13;
	s12 =	sshll.u32 s12, $0xF;
	s16 =	sand.u32 $0xC00, s16  }
0x10: {  	[tilespmem:s15+$0x810 ss:$0x81] =	vst.msk $0xffff, v2;
	s31 =	sand.u32 $0x7, s13;
	s16 =	sor.u32 s17, s16;
	s17 =	sadd.s32 s3, s30  }
0x11: {  	[tilespmem:s15+$0x1020 ss:$0x81] =	vst.msk $0xffff, v0;
	s13 =	sshll.u32 s31, $0x12;
	s12 =	sadd.s32 s12, s17;
	s16 =	sshrl.u32 s16, $0x3  }
0x12: {  	[tilespmem:s15+$0x0 ss:$0x81] =	vst.msk $0xffff, v1;
	s13 =	sor.u32 $0x400, s13;
	s12 =	sadd.s32 s16, s12  }
0x13: {  	[hbm4b:s12+s13] =	stream.strided.scatter [tilespmem:s14], [sflag:$0x2], $0x2000, s8, s13, $0x20;
	[tilespmem:$0x8080] =	vst v63  }
.LBB1_5:
0x14: {  	s14 =	sadd.s32 $0x1, s9  }
0x15: {  	s12 =	sadd.s32 $0x1000, s10;
	s16 =	smov.u32 s10;
	p2 =	sgt.s32 s14, $0x31  }
0x16: {  	s16 =	smov.u32 @p2 s12  }
0x17: {  	s14 =	simm.s32 @p2 $0x0;
	p2 =	sgt.s32 s16, $0xFFF  }
0x18: {  	s16 =	smov.u32 @p2 s2;
	p2 =	sne.s32 s11, s7  }
.Ltmp1:
0x19: {  	p1 =	slt.u32 s11, $0x2;
	(pc) =	sbr.rel @!p2 .LBB1_6-.Ltmp1, $4  }
0x1a: {  	s15 =	simm.s32 @!p1 $0x2  }
0x1b: {  	s13 =	smov.u32 s10;
	p0 =	por !p0, !p0;
	_ =	swait.ge @!p1 [sflag:s15], $0x2000  }
0x1c: {  	s12 =	smov.u32 s9;
	[sflag:s15] =	ssyncset.done @!p1 $0x0;
	s9 =	smov.u32 s14  }
0x1d: {  	s11 =	sadd.s32 $0x1, s11;
	[sflag:s15] =	ssyncadd.s32 @!p1 $0xFFFFE000;
	s10 =	smov.u32 s16  }
.LBB1_1:
0x1e: {  	p1 =	sge.u32 s11, s5  }
0x1f: {  	s14 =	sand.u32 @!p1 $0x1FFFFFF, s9  }
0x20: {  	s15 =	smulhi.u32 @!p1 $0x4924925, s14;
	_ =	sdelay $0x1  }
0x21: {  	s15 =	smul.u32 @!p1 $0x38, s15  }
0x22: {  	s16 =	sxor.u32 @!p1 $0xFFFFFFFF, s11;
	s17 =	smul.u32 @!p1 $0x380, s10  }
0x23: {  	s31 =	sadd.s32 $0xFFFFFFFF, s11;
	s16 =	sshll.u32 @!p1 s16, $0xD;
	s14 =	ssub.s32 @!p1 s14, s15  }
0x24: {  	s15 =	sand.u32 @!p1 $0x2000, s16;
	s16 =	sadd.s32 @!p1 s6, s17;
	s14 =	sshll.u32 @!p1 s14, $0x4  }
0x25: {  	s17 =	simm.s32 @!p1 $0x1C00;
	s14 =	sadd.s32 @!p1 s14, s16;
	s16 =	simm.s32 @!p1 $0x40  }
0x26: {  	[tilespmem:s15], [sflag:$0x1] =	stream.strided.gather @!p1 [hbm4b:s14+s16], $0x2000, s17, s16, $0x38;
	[tilespmem:$0x8080] =	vst v63  }
0x27: {  	p1 =	sge.u32 s31, s5  }
.Ltmp2:
0x28: {  	_ = 	snop;
	(pc) =	sbr.rel @p1 .LBB1_5-.Ltmp2, $1  }
0x29: {  	_ =	sdelay $0x3  }
0x2a: {  	s14 =	simm.s32 $0x1  }
0x2b: {  	_ =	swait.ge [sflag:s4], $0x2000;
	s14 =	simm.s32 @!p0 $0x0  }
0x2c: {  	[sflag:s4] =	ssyncset.done $0x0;
	s15 =	sshll.u32 s14, $0xD  }
0x2d: {  	[sflag:s4] =	ssyncadd.s32 $0xFFFFE000;
	s18 =	sor.u32 $0x20, s15  }
0x2e: {  	s14 =	smul.u32 $0x8100, s14;
	v3 =	vld [tilespmem:s18+$0x10]  }
0x2f: {  	s30 =	sand.u32 $0x1, s11;
	v2 =	vld [tilespmem:s18+$0xFFFFFFF0]  }
0x30: {  	s15 =	smul.u32 $0x8100, s30;
	s14 =	sshrl.u32 s14, $0x2;
	v0 =	vld [tilespmem:s18+$0x0]  }
0x31: {  	v1 =	vld [tilespmem:s18+$0xFFFFFFE0];
	s16 =	sor.u32 $0x4000, s14  }
0x32: {  	s31 =	sshrl.u32 s15, $0x2;
	s15 =	sadd.s32 $0x0, s16  }
0x33: {  	s17 =	simm.s32 $0x4;
	s18 =	sadd.s32 $0x40, s18;
	s14 =	sor.u32 $0x4000, s31;
	[tilespmem:s15+$0x1830 ss:$0x81] =	vst.msk $0xffff, v3  }
.LBB1_3:
0x34: {  	v3 =	vld [tilespmem:s18+$0x10];
	p1 =	sne.s32 s17, $0x1FC;
	[tilespmem:s15+$0x810 ss:$0x81] =	vst.msk $0xffff, v2;
	s19 =	smov.u32 s17;
	s17 =	sadd.s32 $0x4, s17  }
.Ltmp3:
0x35: {  	v2 =	vld [tilespmem:s18+$0xFFFFFFF0];
	[tilespmem:s15+$0x1020 ss:$0x81] =	vst.msk $0xffff, v0;
	(pc) =	sbr.rel @p1 .LBB1_3-.Ltmp3, $4  }
0x36: {  	v0 =	vld [tilespmem:s18+$0x0];
	[tilespmem:s15+$0x0 ss:$0x81] =	vst.msk $0xffff, v1  }
0x37: {  	s15 =	sshra.s32 s19, $0x2;
	v1 =	vld [tilespmem:s18+$0xFFFFFFE0]  }
0x38: {  	s15 =	sadd.s32 s15, s16  }
0x39: {  	s18 =	sadd.s32 $0x40, s18;
	[tilespmem:s15+$0x1830 ss:$0x81] =	vst.msk $0xffff, v3  }
.Ltmp4:
0x3a: {  	_ = 	snop;
	(pc) =	sbr.rel .LBB1_4-.Ltmp4, $1  }
0x3b: {  	_ =	sdelay $0x3  }
.LBB1_6:
0x3c: {  	_ =	sfence.sel $0x180000  }
0x3d: {  	s2 =	simm.s32 $0x1;
	[bflag:$0x0] =	sbarrier.arrive $0xFFFF  }
0x3e: {  	s31 =	simm.s32 $0x2;
	[sflag:s2] =	ssyncpa.u1 $0x1  }
0x3f: {  	[sflag:s31] =	ssyncpa.u1 $0x1  }
0x40: {  	p0 =	sne.s32 s0, $0x0;
	_ =	strace $0x9000004A  }
0x41: {  	s0 =	sadd.s32 @!p0 $0x100000, s1;
	[bflag:$0x2] =	sbarrier.arrive $0xFFFF  }
0x42: {  	[sflag:s0] =	ssyncadd.tile.s32 @!p0 $0x1;
	_ =	shalt  }
.Lfunc_end1:
_tile_overlayer_lowered:
.L_overlay_start_2:
0x43: {  	(tag) =	ssettag $0x2  }
0x44: {  	s0 =	rddreg [dreg:$0x0];
	s2 =	stileid.u32  }
0x45: {  	s1 =	rddreg [dreg:$0x1];
	p0 =	sne.s32 s2, $0x0  }
0x46: {  	s3 =	rddreg [dreg:$0x2];
	[bflag:$0x3] =	sbarrier.arrive $0xFFFF;
	s2 =	simm.s32 @!p0 $0x1C01  }
0x47: {  	[timem:s3], [sflag:s2] =	dma.local @!p0 [hbm:s0], s1  }
0x48: {  	s0 =	simm.s32 @!p0 $0x1  }
0x49: {  	_ =	swait.ge @!p0 [sflag:s0], s1  }
0x4a: {  	s1 =	ssub.s32 @!p0 $0x0, s1;
	[sflag:s0] =	ssyncset.done @!p0 $0x0  }
0x4b: {  	[sflag:s0] =	ssyncadd.s32 @!p0 s1  }
0x4c: {  	[bflag:$0x3] =	sbarrier.arrive $0xFFFF  }
0x4d: {  	_ =	shalt  }

</sc_bundles>
